<compile_context>
chip_gen: v7x
topology: tpu7x:2x2x1
jax: 0.10.2.dev20260603
libtpu: 0.0.44.dev20260713+nightly
codegen_flags: <defaults>
</compile_context>

<pallas_src>
import dataclasses
import functools

import jax
import jax.numpy as jnp
from jax import lax
from jax.experimental import pallas as pl
from jax.experimental.pallas import tpu as pltpu
from jax.experimental.pallas import tpu_sc as plsc


LANES = 16


def kernel(x, x_mask, table):
    B, L = x.shape
    V, E = table.shape
    info = plsc.get_sparse_core_info()
    NC, NS = info.num_cores, info.num_subcores
    NW = NC * NS
    assert B % (2 * NW) == 0
    rows_per = B // NW
    assert L % 4 == 0
    H0 = min(128, (L // 2 + 7) // 8 * 8)
    H1 = L - H0
    assert 0 < H1 <= 128 and H0 % 8 == 0 and H1 % 8 == 0
    EV = E // LANES
    assert E % LANES == 0
    MCH = L // LANES
    TAIL = L - MCH * LANES

    mesh = plsc.VectorSubcoreMesh(core_axis_name="c", subcore_axis_name="s")
    cp = pltpu.CompilerParams()
    if "needs_layout_passes" in pltpu.CompilerParams.__dataclass_fields__:
        cp = dataclasses.replace(cp, needs_layout_passes=False)
    if "use_tc_tiling_on_sc" in pltpu.CompilerParams.__dataclass_fields__:
        cp = dataclasses.replace(cp, use_tc_tiling_on_sc=False)

    @functools.partial(
        pl.kernel,
        out_type=jax.ShapeDtypeStruct((B, E), jnp.float32),
        mesh=mesh,
        compiler_params=cp,
        scratch_types=[
            pltpu.VMEM((rows_per, L), jnp.int32),
            pltpu.VMEM((rows_per, L), jnp.float32),
            pltpu.VMEM((L, E), jnp.float32),
            pltpu.VMEM((L, E), jnp.float32),
            pltpu.VMEM((rows_per, E), jnp.float32),
            pltpu.SemaphoreType.DMA,
            pltpu.SemaphoreType.DMA,
        ],
    )
    def run(x_hbm, xm_hbm, tbl_hbm, out_hbm,
            idx_v, mask_v, buf0, buf1, out_stage, sem0, sem1):
        wid = lax.axis_index("s") * NC + lax.axis_index("c")
        base = wid * rows_per
        pltpu.sync_copy(x_hbm.at[pl.ds(base, rows_per)], idx_v)
        pltpu.sync_copy(xm_hbm.at[pl.ds(base, rows_per)], mask_v)

        def issue(row, buf, sem):
            pltpu.async_copy(tbl_hbm.at[idx_v.at[row, pl.ds(0, H0)]],
                             buf.at[pl.ds(0, H0)], sem)
            pltpu.async_copy(tbl_hbm.at[idx_v.at[row, pl.ds(H0, H1)]],
                             buf.at[pl.ds(H0, H1)], sem)

        def drain(buf, sem):
            pltpu.make_async_copy(tbl_hbm.at[pl.ds(0, L)], buf, sem).wait()

        lane_ge_tail = lax.iota(jnp.int32, LANES) >= (LANES - TAIL)

        def inv_num(row):
            msum = jnp.zeros((LANES,), jnp.float32)
            for j in range(MCH):
                msum = msum + mask_v[row, pl.ds(j * LANES, LANES)]
            tail = mask_v[row, pl.ds(L - LANES, LANES)]
            msum = msum + jnp.where(lane_ge_tail, tail, 0.0)
            num = jnp.sum(msum)
            return 1.0 / (jnp.full((LANES,), num, jnp.float32) + 1e-20)

        def reduce_store(row, buf, inv):
            def body(j, accs):
                a0, a1 = accs
                r0 = tuple(
                    a0[k] + (buf[4 * j, pl.ds(k * LANES, LANES)]
                             + buf[4 * j + 1, pl.ds(k * LANES, LANES)])
                    for k in range(EV))
                r1 = tuple(
                    a1[k] + (buf[4 * j + 2, pl.ds(k * LANES, LANES)]
                             + buf[4 * j + 3, pl.ds(k * LANES, LANES)])
                    for k in range(EV))
                return (r0, r1)

            zero = tuple(jnp.zeros((LANES,), jnp.float32) for _ in range(EV))
            a0, a1 = lax.fori_loop(0, L // 4, body, (zero, zero))
            for k in range(EV):
                out_stage[row, pl.ds(k * LANES, LANES)] = (a0[k] + a1[k]) * inv

        issue(0, buf0, sem0)

        @pl.loop(0, rows_per // 2)
        def _(t):
            r0 = 2 * t
            issue(r0 + 1, buf1, sem1)
            inv0 = inv_num(r0)
            drain(buf0, sem0)
            reduce_store(r0, buf0, inv0)

            @pl.when(r0 + 2 < rows_per)
            def _():
                issue(r0 + 2, buf0, sem0)

            inv1 = inv_num(r0 + 1)
            drain(buf1, sem1)
            reduce_store(r0 + 1, buf1, inv1)

        pltpu.sync_copy(out_stage, out_hbm.at[pl.ds(base, rows_per)])

    return run(x, x_mask, table)

# --- scband reference (transcript-rebuilt; emitter-appended) ---
"""Pipeline reference for scband-glove-mean-55697135895152 (READ-ONLY COPY).

The authoritative reference and input builder live on the scoring server;
editing this copy changes nothing except your own understanding.
"""

import jax, jax.numpy as jnp
import numpy as np

VOCAB = 1000000
EMBED = 64
B = 4096
L = 200

def setup_inputs(seed: int = 0) -> dict:
    key = jax.random.key(seed)
    k1, k2 = jax.random.split(key)
    x = jax.random.randint(k1, (B, L), 0, VOCAB, dtype=jnp.int64 if jax.config.read('jax_enable_x64') else jnp.int32).astype(jnp.int32)
    x_mask = jnp.ones((B, L), dtype=jnp.float32)
    table = jax.random.normal(k2, (VOCAB, EMBED), dtype=jnp.float32) * 0.02
    # padding_idx=0: zero out row 0 like nn.Embedding(padding_idx=0)
    table = table.at[0].set(0.0)
    return {"x": x, "x_mask": x_mask, "table": table}

def reference(x, x_mask, table):
    # embedding lookup (gather) with padding_idx=0 semantics
    tbl = table.at[0].set(0.0)
    emb = jnp.take(tbl, x, axis=0)  # [B, L, E]
    # mean pool per GloveMean.mean_pool
    x_num = jnp.sum(x_mask, axis=1)[:, None]  # [B, 1] -> broadcast to [B, E]
    x_sum = jnp.sum(emb, axis=1)  # [B, E]
    s = x_sum / (x_num + 1e-20)
    return s

if __name__ == "__main__":
    import jax
    _d = setup_inputs()
    print(jax.jit(kernel)(*tuple(_d.values())))

</pallas_src>

<mosaic_0001>
#map = affine_map<(d0, d1) -> (0, 0)>
module attributes {stable_mosaic.version = 14 : i64} {
  func.func @run(%arg0: i32, %arg1: i32, %arg2: memref<4096x200xi32, #tpu.memory_space<hbm>>, %arg3: memref<4096x200xf32, #tpu.memory_space<hbm>>, %arg4: memref<1000000x64xf32, #tpu.memory_space<hbm>>, %arg5: memref<4096x64xf32, #tpu.memory_space<hbm>>, %arg6: memref<128x200xi32, #tpu.memory_space<vmem>>, %arg7: memref<128x200xf32, #tpu.memory_space<vmem>>, %arg8: memref<200x64xf32, #tpu.memory_space<vmem>>, %arg9: memref<200x64xf32, #tpu.memory_space<vmem>>, %arg10: memref<128x64xf32, #tpu.memory_space<vmem>>, %arg11: memref<!tpu.dma_semaphore, #tpu.memory_space<semaphore_mem>>, %arg12: memref<!tpu.dma_semaphore, #tpu.memory_space<semaphore_mem>>) attributes {dimension_semantics = [#tpu.dimension_semantics<core_parallel>, #tpu.dimension_semantics<subcore_parallel>], iteration_bounds = array<i64: 2, 16>, scalar_prefetch = 0 : i64, scratch_operands = 7 : i64, tpu.core_type = #tpu.core_type<sc_vector_subcore>, window_params = [{transform_indices = #map}, {transform_indices = #map}, {transform_indices = #map}, {transform_indices = #map}]} {
    %mul3A = arith.constant 2 : i32
    %mul3A_0 = arith.muli %arg1, %mul3A : i32
    %add3A = arith.addi %mul3A_0, %arg0 : i32
    %mul3A_1 = arith.constant 128 : i32
    %mul3A_2 = arith.muli %add3A, %mul3A_1 : i32
    "tpu.region"() ({
      %run_scoped3A = tpu.sem_alloc : memref<!tpu.dma_semaphore, #tpu.memory_space<semaphore_mem>>
      %dma_start3A_28 = arith.constant 0 : i32
      %dma_start3A_29 = tpu.memref_slice %arg2[%mul3A_2, %dma_start3A_28] : memref<4096x200xi32, #tpu.memory_space<hbm>> -> memref<128x200xi32, #tpu.memory_space<hbm>>
      %dma_start3A_30 = arith.constant 0 : i32
      %dma_start3A_31 = tpu.memref_slice %arg2[%mul3A_2, %dma_start3A_30] : memref<4096x200xi32, #tpu.memory_space<hbm>> -> memref<128x200xi32, #tpu.memory_space<hbm>>
      tpu.enqueue_dma source(%dma_start3A_31 : memref<128x200xi32, #tpu.memory_space<hbm>>) target(%arg6 : memref<128x200xi32, #tpu.memory_space<vmem>>) target_semaphore(%run_scoped3A : memref<!tpu.dma_semaphore, #tpu.memory_space<semaphore_mem>>)
      %dma_wait3A = arith.constant 0 : i32
      %dma_wait3A_32 = tpu.memref_slice %arg2[%mul3A_2, %dma_wait3A] : memref<4096x200xi32, #tpu.memory_space<hbm>> -> memref<128x200xi32, #tpu.memory_space<hbm>>
      %dma_wait3A_33 = arith.constant 0 : i32
      %dma_wait3A_34 = tpu.memref_slice %arg2[%mul3A_2, %dma_wait3A_33] : memref<4096x200xi32, #tpu.memory_space<hbm>> -> memref<128x200xi32, #tpu.memory_space<hbm>>
      tpu.wait_dma2 semaphore(%run_scoped3A : memref<!tpu.dma_semaphore, #tpu.memory_space<semaphore_mem>>) src(%dma_wait3A_34 : memref<128x200xi32, #tpu.memory_space<hbm>>) dst(%arg6 : memref<128x200xi32, #tpu.memory_space<vmem>>)
      tpu.yield
    }) : () -> ()
    "tpu.region"() ({
      %run_scoped3A = tpu.sem_alloc : memref<!tpu.dma_semaphore, #tpu.memory_space<semaphore_mem>>
      %dma_start3A_28 = arith.constant 0 : i32
      %dma_start3A_29 = tpu.memref_slice %arg3[%mul3A_2, %dma_start3A_28] : memref<4096x200xf32, #tpu.memory_space<hbm>> -> memref<128x200xf32, #tpu.memory_space<hbm>>
      %dma_start3A_30 = arith.constant 0 : i32
      %dma_start3A_31 = tpu.memref_slice %arg3[%mul3A_2, %dma_start3A_30] : memref<4096x200xf32, #tpu.memory_space<hbm>> -> memref<128x200xf32, #tpu.memory_space<hbm>>
      tpu.enqueue_dma source(%dma_start3A_31 : memref<128x200xf32, #tpu.memory_space<hbm>>) target(%arg7 : memref<128x200xf32, #tpu.memory_space<vmem>>) target_semaphore(%run_scoped3A : memref<!tpu.dma_semaphore, #tpu.memory_space<semaphore_mem>>)
      %dma_wait3A = arith.constant 0 : i32
      %dma_wait3A_32 = tpu.memref_slice %arg3[%mul3A_2, %dma_wait3A] : memref<4096x200xf32, #tpu.memory_space<hbm>> -> memref<128x200xf32, #tpu.memory_space<hbm>>
      %dma_wait3A_33 = arith.constant 0 : i32
      %dma_wait3A_34 = tpu.memref_slice %arg3[%mul3A_2, %dma_wait3A_33] : memref<4096x200xf32, #tpu.memory_space<hbm>> -> memref<128x200xf32, #tpu.memory_space<hbm>>
      tpu.wait_dma2 semaphore(%run_scoped3A : memref<!tpu.dma_semaphore, #tpu.memory_space<semaphore_mem>>) src(%dma_wait3A_34 : memref<128x200xf32, #tpu.memory_space<hbm>>) dst(%arg7 : memref<128x200xf32, #tpu.memory_space<vmem>>)
      tpu.yield
    }) : () -> ()
    %iota3A = tpu.iota {dimensions = array<i32: 0>} : vector<16xi32>
    %ge3A = arith.constant 8 : i32
    %ge3A_3 = vector.broadcast %ge3A : i32 to vector<16xi32>
    %ge3A_4 = arith.cmpi sge, %iota3A, %ge3A_3 : vector<16xi32>
    %dma_start3A = arith.constant 0 : i32
    %dma_start3A_5 = arith.constant 0 : i32
    %dma_start3A_6 = arith.constant 0 : i32
    %dma_start3A_7 = tpu.memref_slice %arg8[%dma_start3A_5, %dma_start3A_6] : memref<200x64xf32, #tpu.memory_space<vmem>> -> memref<104x64xf32, #tpu.memory_space<vmem>>
    %dma_start3A_8 = arith.constant 0 : i32
    %dma_start3A_9 = tpu.memref_slice %arg6[%dma_start3A, %dma_start3A_8] : memref<128x200xi32, #tpu.memory_space<vmem>> -> memref<1x104xi32, #tpu.memory_space<vmem>>
    %dma_start3A_10 = tpu.memref_squeeze %dma_start3A_9 : memref<1x104xi32, #tpu.memory_space<vmem>> -> memref<104xi32, #tpu.memory_space<vmem>>
    %dma_start3A_11 = arith.constant 0 : i32
    %dma_start3A_12 = arith.constant 0 : i32
    %dma_start3A_13 = tpu.memref_slice %arg4[%dma_start3A_11, %dma_start3A_12] : memref<1000000x64xf32, #tpu.memory_space<hbm>> -> memref<1000000x64xf32, #tpu.memory_space<hbm>>
    tpu.enqueue_indirect_dma source(%dma_start3A_13 : memref<1000000x64xf32, #tpu.memory_space<hbm>>) target(%dma_start3A_7 : memref<104x64xf32, #tpu.memory_space<vmem>>) offsets(%dma_start3A_10 : memref<104xi32, #tpu.memory_space<vmem>>) semaphore(%arg11 : memref<!tpu.dma_semaphore, #tpu.memory_space<semaphore_mem>>)
    %dma_start3A_14 = arith.constant 0 : i32
    %dma_start3A_15 = arith.constant 104 : i32
    %dma_start3A_16 = arith.constant 0 : i32
    %dma_start3A_17 = tpu.memref_slice %arg8[%dma_start3A_15, %dma_start3A_16] : memref<200x64xf32, #tpu.memory_space<vmem>> -> memref<96x64xf32, #tpu.memory_space<vmem>>
    %dma_start3A_18 = arith.constant 104 : i32
    %dma_start3A_19 = tpu.memref_slice %arg6[%dma_start3A_14, %dma_start3A_18] : memref<128x200xi32, #tpu.memory_space<vmem>> -> memref<1x96xi32, #tpu.memory_space<vmem>>
    %dma_start3A_20 = tpu.memref_squeeze %dma_start3A_19 : memref<1x96xi32, #tpu.memory_space<vmem>> -> memref<96xi32, #tpu.memory_space<vmem>>
    %dma_start3A_21 = arith.constant 0 : i32
    %dma_start3A_22 = arith.constant 0 : i32
    %dma_start3A_23 = tpu.memref_slice %arg4[%dma_start3A_21, %dma_start3A_22] : memref<1000000x64xf32, #tpu.memory_space<hbm>> -> memref<1000000x64xf32, #tpu.memory_space<hbm>>
    tpu.enqueue_indirect_dma source(%dma_start3A_23 : memref<1000000x64xf32, #tpu.memory_space<hbm>>) target(%dma_start3A_17 : memref<96x64xf32, #tpu.memory_space<vmem>>) offsets(%dma_start3A_20 : memref<96xi32, #tpu.memory_space<vmem>>) semaphore(%arg11 : memref<!tpu.dma_semaphore, #tpu.memory_space<semaphore_mem>>)
    %scan3A = arith.constant 0 : i32
    %scan3A_24 = arith.constant 64 : i32
    %scan3A_25 = arith.addi %scan3A, %scan3A_24 : i32
    %scan3A_26 = arith.constant 1 : i32
    scf.for %scan3A_28 = %scan3A to %scan3A_25 step %scan3A_26  : i32 {
      %mul3A_29 = arith.constant 1 : i32
      %mul3A_30 = arith.muli %scan3A_28, %mul3A_29 : i32
      %add3A_31 = arith.constant 0 : i32
      %add3A_32 = arith.addi %add3A_31, %mul3A_30 : i32
      %mul3A_33 = arith.constant 2 : i32
      %mul3A_34 = arith.muli %mul3A_33, %add3A_32 : i32
      %add3A_35 = arith.constant 1 : i32
      %add3A_36 = arith.addi %mul3A_34, %add3A_35 : i32
      %dma_start3A_37 = arith.constant 0 : i32
      %dma_start3A_38 = arith.constant 0 : i32
      %dma_start3A_39 = tpu.memref_slice %arg9[%dma_start3A_37, %dma_start3A_38] : memref<200x64xf32, #tpu.memory_space<vmem>> -> memref<104x64xf32, #tpu.memory_space<vmem>>
      %dma_start3A_40 = arith.constant 0 : i32
      %dma_start3A_41 = tpu.memref_slice %arg6[%add3A_36, %dma_start3A_40] : memref<128x200xi32, #tpu.memory_space<vmem>> -> memref<1x104xi32, #tpu.memory_space<vmem>>
      %dma_start3A_42 = tpu.memref_squeeze %dma_start3A_41 : memref<1x104xi32, #tpu.memory_space<vmem>> -> memref<104xi32, #tpu.memory_space<vmem>>
      %dma_start3A_43 = arith.constant 0 : i32
      %dma_start3A_44 = arith.constant 0 : i32
      %dma_start3A_45 = tpu.memref_slice %arg4[%dma_start3A_43, %dma_start3A_44] : memref<1000000x64xf32, #tpu.memory_space<hbm>> -> memref<1000000x64xf32, #tpu.memory_space<hbm>>
      tpu.enqueue_indirect_dma source(%dma_start3A_45 : memref<1000000x64xf32, #tpu.memory_space<hbm>>) target(%dma_start3A_39 : memref<104x64xf32, #tpu.memory_space<vmem>>) offsets(%dma_start3A_42 : memref<104xi32, #tpu.memory_space<vmem>>) semaphore(%arg12 : memref<!tpu.dma_semaphore, #tpu.memory_space<semaphore_mem>>)
      %dma_start3A_46 = arith.constant 104 : i32
      %dma_start3A_47 = arith.constant 0 : i32
      %dma_start3A_48 = tpu.memref_slice %arg9[%dma_start3A_46, %dma_start3A_47] : memref<200x64xf32, #tpu.memory_space<vmem>> -> memref<96x64xf32, #tpu.memory_space<vmem>>
      %dma_start3A_49 = arith.constant 104 : i32
      %dma_start3A_50 = tpu.memref_slice %arg6[%add3A_36, %dma_start3A_49] : memref<128x200xi32, #tpu.memory_space<vmem>> -> memref<1x96xi32, #tpu.memory_space<vmem>>
      %dma_start3A_51 = tpu.memref_squeeze %dma_start3A_50 : memref<1x96xi32, #tpu.memory_space<vmem>> -> memref<96xi32, #tpu.memory_space<vmem>>
      %dma_start3A_52 = arith.constant 0 : i32
      %dma_start3A_53 = arith.constant 0 : i32
      %dma_start3A_54 = tpu.memref_slice %arg4[%dma_start3A_52, %dma_start3A_53] : memref<1000000x64xf32, #tpu.memory_space<hbm>> -> memref<1000000x64xf32, #tpu.memory_space<hbm>>
      tpu.enqueue_indirect_dma source(%dma_start3A_54 : memref<1000000x64xf32, #tpu.memory_space<hbm>>) target(%dma_start3A_48 : memref<96x64xf32, #tpu.memory_space<vmem>>) offsets(%dma_start3A_51 : memref<96xi32, #tpu.memory_space<vmem>>) semaphore(%arg12 : memref<!tpu.dma_semaphore, #tpu.memory_space<semaphore_mem>>)
      %broadcast_in_dim3A = arith.constant 0.000000e+00 : f32
      %broadcast_in_dim3A_55 = vector.broadcast %broadcast_in_dim3A : f32 to vector<16xf32>
      %get3A = arith.index_cast %mul3A_34 : i32 to index
      %get3A_56 = arith.constant 0 : index
      %get3A_57 = tpu.vector_load %arg7[%get3A, %get3A_56] {strides = array<i32>} : memref<128x200xf32, #tpu.memory_space<vmem>>, vector<16xf32>,
      %add3A_58 = arith.addf %broadcast_in_dim3A_55, %get3A_57 : vector<16xf32>
      %get3A_59 = arith.index_cast %mul3A_34 : i32 to index
      %get3A_60 = arith.constant 16 : index
      %get3A_61 = tpu.vector_load %arg7[%get3A_59, %get3A_60] {strides = array<i32>} : memref<128x200xf32, #tpu.memory_space<vmem>>, vector<16xf32>,
      %add3A_62 = arith.addf %add3A_58, %get3A_61 : vector<16xf32>
      %get3A_63 = arith.index_cast %mul3A_34 : i32 to index
      %get3A_64 = arith.constant 32 : index
      %get3A_65 = tpu.vector_load %arg7[%get3A_63, %get3A_64] {strides = array<i32>} : memref<128x200xf32, #tpu.memory_space<vmem>>, vector<16xf32>,
      %add3A_66 = arith.addf %add3A_62, %get3A_65 : vector<16xf32>
      %get3A_67 = arith.index_cast %mul3A_34 : i32 to index
      %get3A_68 = arith.constant 48 : index
      %get3A_69 = tpu.vector_load %arg7[%get3A_67, %get3A_68] {strides = array<i32>} : memref<128x200xf32, #tpu.memory_space<vmem>>, vector<16xf32>,
      %add3A_70 = arith.addf %add3A_66, %get3A_69 : vector<16xf32>
      %get3A_71 = arith.index_cast %mul3A_34 : i32 to index
      %get3A_72 = arith.constant 64 : index
      %get3A_73 = tpu.vector_load %arg7[%get3A_71, %get3A_72] {strides = array<i32>} : memref<128x200xf32, #tpu.memory_space<vmem>>, vector<16xf32>,
      %add3A_74 = arith.addf %add3A_70, %get3A_73 : vector<16xf32>
      %get3A_75 = arith.index_cast %mul3A_34 : i32 to index
      %get3A_76 = arith.constant 80 : index
      %get3A_77 = tpu.vector_load %arg7[%get3A_75, %get3A_76] {strides = array<i32>} : memref<128x200xf32, #tpu.memory_space<vmem>>, vector<16xf32>,
      %add3A_78 = arith.addf %add3A_74, %get3A_77 : vector<16xf32>
      %get3A_79 = arith.index_cast %mul3A_34 : i32 to index
      %get3A_80 = arith.constant 96 : index
      %get3A_81 = tpu.vector_load %arg7[%get3A_79, %get3A_80] {strides = array<i32>} : memref<128x200xf32, #tpu.memory_space<vmem>>, vector<16xf32>,
      %add3A_82 = arith.addf %add3A_78, %get3A_81 : vector<16xf32>
      %get3A_83 = arith.index_cast %mul3A_34 : i32 to index
      %get3A_84 = arith.constant 112 : index
      %get3A_85 = tpu.vector_load %arg7[%get3A_83, %get3A_84] {strides = array<i32>} : memref<128x200xf32, #tpu.memory_space<vmem>>, vector<16xf32>,
      %add3A_86 = arith.addf %add3A_82, %get3A_85 : vector<16xf32>
      %get3A_87 = arith.index_cast %mul3A_34 : i32 to index
      %get3A_88 = arith.constant 128 : index
      %get3A_89 = tpu.vector_load %arg7[%get3A_87, %get3A_88] {strides = array<i32>} : memref<128x200xf32, #tpu.memory_space<vmem>>, vector<16xf32>,
      %add3A_90 = arith.addf %add3A_86, %get3A_89 : vector<16xf32>
      %get3A_91 = arith.index_cast %mul3A_34 : i32 to index
      %get3A_92 = arith.constant 144 : index
      %get3A_93 = tpu.vector_load %arg7[%get3A_91, %get3A_92] {strides = array<i32>} : memref<128x200xf32, #tpu.memory_space<vmem>>, vector<16xf32>,
      %add3A_94 = arith.addf %add3A_90, %get3A_93 : vector<16xf32>
      %get3A_95 = arith.index_cast %mul3A_34 : i32 to index
      %get3A_96 = arith.constant 160 : index
      %get3A_97 = tpu.vector_load %arg7[%get3A_95, %get3A_96] {strides = array<i32>} : memref<128x200xf32, #tpu.memory_space<vmem>>, vector<16xf32>,
      %add3A_98 = arith.addf %add3A_94, %get3A_97 : vector<16xf32>
      %get3A_99 = arith.index_cast %mul3A_34 : i32 to index
      %get3A_100 = arith.constant 176 : index
      %get3A_101 = tpu.vector_load %arg7[%get3A_99, %get3A_100] {strides = array<i32>} : memref<128x200xf32, #tpu.memory_space<vmem>>, vector<16xf32>,
      %add3A_102 = arith.addf %add3A_98, %get3A_101 : vector<16xf32>
      %get3A_103 = arith.index_cast %mul3A_34 : i32 to index
      %get3A_104 = arith.constant 184 : index
      %get3A_105 = tpu.vector_load %arg7[%get3A_103, %get3A_104] {strides = array<i32>} : memref<128x200xf32, #tpu.memory_space<vmem>>, vector<16xf32>,
      %jit3A = arith.constant 0.000000e+00 : f32
      %broadcast_in_dim3A_106 = vector.broadcast %jit3A : f32 to vector<16xf32>
      %select_n3A = arith.select %ge3A_4, %get3A_105, %broadcast_in_dim3A_106 : vector<16xi1>, vector<16xf32>
      %add3A_107 = arith.addf %add3A_102, %select_n3A : vector<16xf32>
      %reduce_sum3A = arith.constant true
      %reduce_sum3A_108 = vector.broadcast %reduce_sum3A : i1 to vector<16xi1>
      %reduce_sum3A_109 = tpu.scan <sum>, %add3A_107 masked %reduce_sum3A_108 : vector<16xf32>, vector<16xi1> -> vector<16xf32>
      %reduce_sum3A_110 = vector.extract %reduce_sum3A_109[15] : f32 from vector<16xf32>
      %broadcast_in_dim3A_111 = vector.broadcast %reduce_sum3A_110 : f32 to vector<16xf32>
      %add3A_112 = arith.constant 9.99999968E-21 : f32
      %add3A_113 = vector.broadcast %add3A_112 : f32 to vector<16xf32>
      %add3A_114 = arith.addf %broadcast_in_dim3A_111, %add3A_113 : vector<16xf32>
      %div3A = arith.constant 1.000000e+00 : f32
      %div3A_115 = vector.broadcast %div3A : f32 to vector<16xf32>
      %div3A_116 = arith.divf %div3A_115, %add3A_114 : vector<16xf32>
      %dma_wait3A = arith.constant 0 : i32
      %dma_wait3A_117 = arith.constant 0 : i32
      %dma_wait3A_118 = tpu.memref_slice %arg4[%dma_wait3A, %dma_wait3A_117] : memref<1000000x64xf32, #tpu.memory_space<hbm>> -> memref<200x64xf32, #tpu.memory_space<hbm>>
      %dma_wait3A_119 = arith.constant 0 : i32
      %dma_wait3A_120 = arith.constant 0 : i32
      %dma_wait3A_121 = tpu.memref_slice %arg4[%dma_wait3A_119, %dma_wait3A_120] : memref<1000000x64xf32, #tpu.memory_space<hbm>> -> memref<200x64xf32, #tpu.memory_space<hbm>>
      tpu.wait_dma2 semaphore(%arg11 : memref<!tpu.dma_semaphore, #tpu.memory_space<semaphore_mem>>) src(%dma_wait3A_121 : memref<200x64xf32, #tpu.memory_space<hbm>>) dst(%arg8 : memref<200x64xf32, #tpu.memory_space<vmem>>)
      %broadcast_in_dim3A_122 = arith.constant 0.000000e+00 : f32
      %broadcast_in_dim3A_123 = vector.broadcast %broadcast_in_dim3A_122 : f32 to vector<16xf32>
      %broadcast_in_dim3A_124 = arith.constant 0.000000e+00 : f32
      %broadcast_in_dim3A_125 = vector.broadcast %broadcast_in_dim3A_124 : f32 to vector<16xf32>
      %broadcast_in_dim3A_126 = arith.constant 0.000000e+00 : f32
      %broadcast_in_dim3A_127 = vector.broadcast %broadcast_in_dim3A_126 : f32 to vector<16xf32>
      %broadcast_in_dim3A_128 = arith.constant 0.000000e+00 : f32
      %broadcast_in_dim3A_129 = vector.broadcast %broadcast_in_dim3A_128 : f32 to vector<16xf32>
      %scan3A_130 = arith.constant 0 : i32
      %scan3A_131 = arith.constant 50 : i32
      %scan3A_132 = arith.addi %scan3A_130, %scan3A_131 : i32
      %scan3A_133 = arith.constant 1 : i32
      %scan3A_134:8 = scf.for %scan3A_271 = %scan3A_130 to %scan3A_132 step %scan3A_133 iter_args(%scan3A_272 = %broadcast_in_dim3A_123, %scan3A_273 = %broadcast_in_dim3A_125, %scan3A_274 = %broadcast_in_dim3A_127, %scan3A_275 = %broadcast_in_dim3A_129, %scan3A_276 = %broadcast_in_dim3A_123, %scan3A_277 = %broadcast_in_dim3A_125, %scan3A_278 = %broadcast_in_dim3A_127, %scan3A_279 = %broadcast_in_dim3A_129) -> (vector<16xf32>, vector<16xf32>, vector<16xf32>, vector<16xf32>, vector<16xf32>, vector<16xf32>, vector<16xf32>, vector<16xf32>)  : i32 {
        %mul3A_280 = arith.constant 4 : i32
        %mul3A_281 = arith.muli %mul3A_280, %scan3A_271 : i32
        %get3A_282 = arith.index_cast %mul3A_281 : i32 to index
        %get3A_283 = arith.constant 0 : index
        %get3A_284 = tpu.vector_load %arg8[%get3A_282, %get3A_283] {strides = array<i32>} : memref<200x64xf32, #tpu.memory_space<vmem>>, vector<16xf32>,
        %mul3A_285 = arith.constant 4 : i32
        %mul3A_286 = arith.muli %mul3A_285, %scan3A_271 : i32
        %add3A_287 = arith.constant 1 : i32
        %add3A_288 = arith.addi %mul3A_286, %add3A_287 : i32
        %get3A_289 = arith.index_cast %add3A_288 : i32 to index
        %get3A_290 = arith.constant 0 : index
        %get3A_291 = tpu.vector_load %arg8[%get3A_289, %get3A_290] {strides = array<i32>} : memref<200x64xf32, #tpu.memory_space<vmem>>, vector<16xf32>,
        %add3A_292 = arith.addf %get3A_284, %get3A_291 : vector<16xf32>
        %add3A_293 = arith.addf %scan3A_272, %add3A_292 : vector<16xf32>
        %mul3A_294 = arith.constant 4 : i32
        %mul3A_295 = arith.muli %mul3A_294, %scan3A_271 : i32
        %get3A_296 = arith.index_cast %mul3A_295 : i32 to index
        %get3A_297 = arith.constant 16 : index
        %get3A_298 = tpu.vector_load %arg8[%get3A_296, %get3A_297] {strides = array<i32>} : memref<200x64xf32, #tpu.memory_space<vmem>>, vector<16xf32>,
        %mul3A_299 = arith.constant 4 : i32
        %mul3A_300 = arith.muli %mul3A_299, %scan3A_271 : i32
        %add3A_301 = arith.constant 1 : i32
        %add3A_302 = arith.addi %mul3A_300, %add3A_301 : i32
        %get3A_303 = arith.index_cast %add3A_302 : i32 to index
        %get3A_304 = arith.constant 16 : index
        %get3A_305 = tpu.vector_load %arg8[%get3A_303, %get3A_304] {strides = array<i32>} : memref<200x64xf32, #tpu.memory_space<vmem>>, vector<16xf32>,
        %add3A_306 = arith.addf %get3A_298, %get3A_305 : vector<16xf32>
        %add3A_307 = arith.addf %scan3A_273, %add3A_306 : vector<16xf32>
        %mul3A_308 = arith.constant 4 : i32
        %mul3A_309 = arith.muli %mul3A_308, %scan3A_271 : i32
        %get3A_310 = arith.index_cast %mul3A_309 : i32 to index
        %get3A_311 = arith.constant 32 : index
        %get3A_312 = tpu.vector_load %arg8[%get3A_310, %get3A_311] {strides = array<i32>} : memref<200x64xf32, #tpu.memory_space<vmem>>, vector<16xf32>,
        %mul3A_313 = arith.constant 4 : i32
        %mul3A_314 = arith.muli %mul3A_313, %scan3A_271 : i32
        %add3A_315 = arith.constant 1 : i32
        %add3A_316 = arith.addi %mul3A_314, %add3A_315 : i32
        %get3A_317 = arith.index_cast %add3A_316 : i32 to index
        %get3A_318 = arith.constant 32 : index
        %get3A_319 = tpu.vector_load %arg8[%get3A_317, %get3A_318] {strides = array<i32>} : memref<200x64xf32, #tpu.memory_space<vmem>>, vector<16xf32>,
        %add3A_320 = arith.addf %get3A_312, %get3A_319 : vector<16xf32>
        %add3A_321 = arith.addf %scan3A_274, %add3A_320 : vector<16xf32>
        %mul3A_322 = arith.constant 4 : i32
        %mul3A_323 = arith.muli %mul3A_322, %scan3A_271 : i32
        %get3A_324 = arith.index_cast %mul3A_323 : i32 to index
        %get3A_325 = arith.constant 48 : index
        %get3A_326 = tpu.vector_load %arg8[%get3A_324, %get3A_325] {strides = array<i32>} : memref<200x64xf32, #tpu.memory_space<vmem>>, vector<16xf32>,
        %mul3A_327 = arith.constant 4 : i32
        %mul3A_328 = arith.muli %mul3A_327, %scan3A_271 : i32
        %add3A_329 = arith.constant 1 : i32
        %add3A_330 = arith.addi %mul3A_328, %add3A_329 : i32
        %get3A_331 = arith.index_cast %add3A_330 : i32 to index
        %get3A_332 = arith.constant 48 : index
        %get3A_333 = tpu.vector_load %arg8[%get3A_331, %get3A_332] {strides = array<i32>} : memref<200x64xf32, #tpu.memory_space<vmem>>, vector<16xf32>,
        %add3A_334 = arith.addf %get3A_326, %get3A_333 : vector<16xf32>
        %add3A_335 = arith.addf %scan3A_275, %add3A_334 : vector<16xf32>
        %mul3A_336 = arith.constant 4 : i32
        %mul3A_337 = arith.muli %mul3A_336, %scan3A_271 : i32
        %add3A_338 = arith.constant 2 : i32
        %add3A_339 = arith.addi %mul3A_337, %add3A_338 : i32
        %get3A_340 = arith.index_cast %add3A_339 : i32 to index
        %get3A_341 = arith.constant 0 : index
        %get3A_342 = tpu.vector_load %arg8[%get3A_340, %get3A_341] {strides = array<i32>} : memref<200x64xf32, #tpu.memory_space<vmem>>, vector<16xf32>,
        %mul3A_343 = arith.constant 4 : i32
        %mul3A_344 = arith.muli %mul3A_343, %scan3A_271 : i32
        %add3A_345 = arith.constant 3 : i32
        %add3A_346 = arith.addi %mul3A_344, %add3A_345 : i32
        %get3A_347 = arith.index_cast %add3A_346 : i32 to index
        %get3A_348 = arith.constant 0 : index
        %get3A_349 = tpu.vector_load %arg8[%get3A_347, %get3A_348] {strides = array<i32>} : memref<200x64xf32, #tpu.memory_space<vmem>>, vector<16xf32>,
        %add3A_350 = arith.addf %get3A_342, %get3A_349 : vector<16xf32>
        %add3A_351 = arith.addf %scan3A_276, %add3A_350 : vector<16xf32>
        %mul3A_352 = arith.constant 4 : i32
        %mul3A_353 = arith.muli %mul3A_352, %scan3A_271 : i32
        %add3A_354 = arith.constant 2 : i32
        %add3A_355 = arith.addi %mul3A_353, %add3A_354 : i32
        %get3A_356 = arith.index_cast %add3A_355 : i32 to index
        %get3A_357 = arith.constant 16 : index
        %get3A_358 = tpu.vector_load %arg8[%get3A_356, %get3A_357] {strides = array<i32>} : memref<200x64xf32, #tpu.memory_space<vmem>>, vector<16xf32>,
        %mul3A_359 = arith.constant 4 : i32
        %mul3A_360 = arith.muli %mul3A_359, %scan3A_271 : i32
        %add3A_361 = arith.constant 3 : i32
        %add3A_362 = arith.addi %mul3A_360, %add3A_361 : i32
        %get3A_363 = arith.index_cast %add3A_362 : i32 to index
        %get3A_364 = arith.constant 16 : index
        %get3A_365 = tpu.vector_load %arg8[%get3A_363, %get3A_364] {strides = array<i32>} : memref<200x64xf32, #tpu.memory_space<vmem>>, vector<16xf32>,
        %add3A_366 = arith.addf %get3A_358, %get3A_365 : vector<16xf32>
        %add3A_367 = arith.addf %scan3A_277, %add3A_366 : vector<16xf32>
        %mul3A_368 = arith.constant 4 : i32
        %mul3A_369 = arith.muli %mul3A_368, %scan3A_271 : i32
        %add3A_370 = arith.constant 2 : i32
        %add3A_371 = arith.addi %mul3A_369, %add3A_370 : i32
        %get3A_372 = arith.index_cast %add3A_371 : i32 to index
        %get3A_373 = arith.constant 32 : index
        %get3A_374 = tpu.vector_load %arg8[%get3A_372, %get3A_373] {strides = array<i32>} : memref<200x64xf32, #tpu.memory_space<vmem>>, vector<16xf32>,
        %mul3A_375 = arith.constant 4 : i32
        %mul3A_376 = arith.muli %mul3A_375, %scan3A_271 : i32
        %add3A_377 = arith.constant 3 : i32
        %add3A_378 = arith.addi %mul3A_376, %add3A_377 : i32
        %get3A_379 = arith.index_cast %add3A_378 : i32 to index
        %get3A_380 = arith.constant 32 : index
        %get3A_381 = tpu.vector_load %arg8[%get3A_379, %get3A_380] {strides = array<i32>} : memref<200x64xf32, #tpu.memory_space<vmem>>, vector<16xf32>,
        %add3A_382 = arith.addf %get3A_374, %get3A_381 : vector<16xf32>
        %add3A_383 = arith.addf %scan3A_278, %add3A_382 : vector<16xf32>
        %mul3A_384 = arith.constant 4 : i32
        %mul3A_385 = arith.muli %mul3A_384, %scan3A_271 : i32
        %add3A_386 = arith.constant 2 : i32
        %add3A_387 = arith.addi %mul3A_385, %add3A_386 : i32
        %get3A_388 = arith.index_cast %add3A_387 : i32 to index
        %get3A_389 = arith.constant 48 : index
        %get3A_390 = tpu.vector_load %arg8[%get3A_388, %get3A_389] {strides = array<i32>} : memref<200x64xf32, #tpu.memory_space<vmem>>, vector<16xf32>,
        %mul3A_391 = arith.constant 4 : i32
        %mul3A_392 = arith.muli %mul3A_391, %scan3A_271 : i32
        %add3A_393 = arith.constant 3 : i32
        %add3A_394 = arith.addi %mul3A_392, %add3A_393 : i32
        %get3A_395 = arith.index_cast %add3A_394 : i32 to index
        %get3A_396 = arith.constant 48 : index
        %get3A_397 = tpu.vector_load %arg8[%get3A_395, %get3A_396] {strides = array<i32>} : memref<200x64xf32, #tpu.memory_space<vmem>>, vector<16xf32>,
        %add3A_398 = arith.addf %get3A_390, %get3A_397 : vector<16xf32>
        %add3A_399 = arith.addf %scan3A_279, %add3A_398 : vector<16xf32>
        scf.yield %add3A_293, %add3A_307, %add3A_321, %add3A_335, %add3A_351, %add3A_367, %add3A_383, %add3A_399 : vector<16xf32>, vector<16xf32>, vector<16xf32>, vector<16xf32>, vector<16xf32>, vector<16xf32>, vector<16xf32>, vector<16xf32>
      }
      %scan3A_135 = arith.constant 50 : i32
      %add3A_136 = arith.addf %scan3A_134#0, %scan3A_134#4 : vector<16xf32>
      %mul3A_137 = arith.mulf %add3A_136, %div3A_116 : vector<16xf32>
      %swap3A = arith.index_cast %mul3A_34 : i32 to index
      %swap3A_138 = arith.constant 0 : index
      %swap3A_139 = tpu.vector_load %arg10[%swap3A, %swap3A_138] {strides = array<i32>} : memref<128x64xf32, #tpu.memory_space<vmem>>, vector<16xf32>,
      tpu.vector_store %arg10[%swap3A, %swap3A_138], %mul3A_137 {strides = array<i32>} : memref<128x64xf32, #tpu.memory_space<vmem>>, vector<16xf32>,
      %add3A_140 = arith.addf %scan3A_134#1, %scan3A_134#5 : vector<16xf32>
      %mul3A_141 = arith.mulf %add3A_140, %div3A_116 : vector<16xf32>
      %swap3A_142 = arith.index_cast %mul3A_34 : i32 to index
      %swap3A_143 = arith.constant 16 : index
      %swap3A_144 = tpu.vector_load %arg10[%swap3A_142, %swap3A_143] {strides = array<i32>} : memref<128x64xf32, #tpu.memory_space<vmem>>, vector<16xf32>,
      tpu.vector_store %arg10[%swap3A_142, %swap3A_143], %mul3A_141 {strides = array<i32>} : memref<128x64xf32, #tpu.memory_space<vmem>>, vector<16xf32>,
      %add3A_145 = arith.addf %scan3A_134#2, %scan3A_134#6 : vector<16xf32>
      %mul3A_146 = arith.mulf %add3A_145, %div3A_116 : vector<16xf32>
      %swap3A_147 = arith.index_cast %mul3A_34 : i32 to index
      %swap3A_148 = arith.constant 32 : index
      %swap3A_149 = tpu.vector_load %arg10[%swap3A_147, %swap3A_148] {strides = array<i32>} : memref<128x64xf32, #tpu.memory_space<vmem>>, vector<16xf32>,
      tpu.vector_store %arg10[%swap3A_147, %swap3A_148], %mul3A_146 {strides = array<i32>} : memref<128x64xf32, #tpu.memory_space<vmem>>, vector<16xf32>,
      %add3A_150 = arith.addf %scan3A_134#3, %scan3A_134#7 : vector<16xf32>
      %mul3A_151 = arith.mulf %add3A_150, %div3A_116 : vector<16xf32>
      %swap3A_152 = arith.index_cast %mul3A_34 : i32 to index
      %swap3A_153 = arith.constant 48 : index
      %swap3A_154 = tpu.vector_load %arg10[%swap3A_152, %swap3A_153] {strides = array<i32>} : memref<128x64xf32, #tpu.memory_space<vmem>>, vector<16xf32>,
      tpu.vector_store %arg10[%swap3A_152, %swap3A_153], %mul3A_151 {strides = array<i32>} : memref<128x64xf32, #tpu.memory_space<vmem>>, vector<16xf32>,
      %add3A_155 = arith.constant 2 : i32
      %add3A_156 = arith.addi %mul3A_34, %add3A_155 : i32
      %lt3A = arith.constant 128 : i32
      %lt3A_157 = arith.cmpi slt, %add3A_156, %lt3A : i32
      %convert_element_type3A = arith.extui %lt3A_157 : i1 to i32
      %cond3A = arith.constant 0 : i32
      %cond3A_158 = arith.cmpi ne, %convert_element_type3A, %cond3A : i32
      scf.if %cond3A_158 {
        %add3A_271 = arith.constant 2 : i32
        %add3A_272 = arith.addi %mul3A_34, %add3A_271 : i32
        %dma_start3A_273 = arith.constant 0 : i32
        %dma_start3A_274 = arith.constant 0 : i32
        %dma_start3A_275 = tpu.memref_slice %arg8[%dma_start3A_273, %dma_start3A_274] : memref<200x64xf32, #tpu.memory_space<vmem>> -> memref<104x64xf32, #tpu.memory_space<vmem>>
        %dma_start3A_276 = arith.constant 0 : i32
        %dma_start3A_277 = tpu.memref_slice %arg6[%add3A_272, %dma_start3A_276] : memref<128x200xi32, #tpu.memory_space<vmem>> -> memref<1x104xi32, #tpu.memory_space<vmem>>
        %dma_start3A_278 = tpu.memref_squeeze %dma_start3A_277 : memref<1x104xi32, #tpu.memory_space<vmem>> -> memref<104xi32, #tpu.memory_space<vmem>>
        %dma_start3A_279 = arith.constant 0 : i32
        %dma_start3A_280 = arith.constant 0 : i32
        %dma_start3A_281 = tpu.memref_slice %arg4[%dma_start3A_279, %dma_start3A_280] : memref<1000000x64xf32, #tpu.memory_space<hbm>> -> memref<1000000x64xf32, #tpu.memory_space<hbm>>
        tpu.enqueue_indirect_dma source(%dma_start3A_281 : memref<1000000x64xf32, #tpu.memory_space<hbm>>) target(%dma_start3A_275 : memref<104x64xf32, #tpu.memory_space<vmem>>) offsets(%dma_start3A_278 : memref<104xi32, #tpu.memory_space<vmem>>) semaphore(%arg11 : memref<!tpu.dma_semaphore, #tpu.memory_space<semaphore_mem>>)
        %dma_start3A_282 = arith.constant 104 : i32
        %dma_start3A_283 = arith.constant 0 : i32
        %dma_start3A_284 = tpu.memref_slice %arg8[%dma_start3A_282, %dma_start3A_283] : memref<200x64xf32, #tpu.memory_space<vmem>> -> memref<96x64xf32, #tpu.memory_space<vmem>>
        %dma_start3A_285 = arith.constant 104 : i32
        %dma_start3A_286 = tpu.memref_slice %arg6[%add3A_272, %dma_start3A_285] : memref<128x200xi32, #tpu.memory_space<vmem>> -> memref<1x96xi32, #tpu.memory_space<vmem>>
        %dma_start3A_287 = tpu.memref_squeeze %dma_start3A_286 : memref<1x96xi32, #tpu.memory_space<vmem>> -> memref<96xi32, #tpu.memory_space<vmem>>
        %dma_start3A_288 = arith.constant 0 : i32
        %dma_start3A_289 = arith.constant 0 : i32
        %dma_start3A_290 = tpu.memref_slice %arg4[%dma_start3A_288, %dma_start3A_289] : memref<1000000x64xf32, #tpu.memory_space<hbm>> -> memref<1000000x64xf32, #tpu.memory_space<hbm>>
        tpu.enqueue_indirect_dma source(%dma_start3A_290 : memref<1000000x64xf32, #tpu.memory_space<hbm>>) target(%dma_start3A_284 : memref<96x64xf32, #tpu.memory_space<vmem>>) offsets(%dma_start3A_287 : memref<96xi32, #tpu.memory_space<vmem>>) semaphore(%arg11 : memref<!tpu.dma_semaphore, #tpu.memory_space<semaphore_mem>>)
      } else {
      }
      %add3A_159 = arith.constant 1 : i32
      %add3A_160 = arith.addi %mul3A_34, %add3A_159 : i32
      %broadcast_in_dim3A_161 = arith.constant 0.000000e+00 : f32
      %broadcast_in_dim3A_162 = vector.broadcast %broadcast_in_dim3A_161 : f32 to vector<16xf32>
      %get3A_163 = arith.index_cast %add3A_160 : i32 to index
      %get3A_164 = arith.constant 0 : index
      %get3A_165 = tpu.vector_load %arg7[%get3A_163, %get3A_164] {strides = array<i32>} : memref<128x200xf32, #tpu.memory_space<vmem>>, vector<16xf32>,
      %add3A_166 = arith.addf %broadcast_in_dim3A_162, %get3A_165 : vector<16xf32>
      %get3A_167 = arith.index_cast %add3A_160 : i32 to index
      %get3A_168 = arith.constant 16 : index
      %get3A_169 = tpu.vector_load %arg7[%get3A_167, %get3A_168] {strides = array<i32>} : memref<128x200xf32, #tpu.memory_space<vmem>>, vector<16xf32>,
      %add3A_170 = arith.addf %add3A_166, %get3A_169 : vector<16xf32>
      %get3A_171 = arith.index_cast %add3A_160 : i32 to index
      %get3A_172 = arith.constant 32 : index
      %get3A_173 = tpu.vector_load %arg7[%get3A_171, %get3A_172] {strides = array<i32>} : memref<128x200xf32, #tpu.memory_space<vmem>>, vector<16xf32>,
      %add3A_174 = arith.addf %add3A_170, %get3A_173 : vector<16xf32>
      %get3A_175 = arith.index_cast %add3A_160 : i32 to index
      %get3A_176 = arith.constant 48 : index
      %get3A_177 = tpu.vector_load %arg7[%get3A_175, %get3A_176] {strides = array<i32>} : memref<128x200xf32, #tpu.memory_space<vmem>>, vector<16xf32>,
      %add3A_178 = arith.addf %add3A_174, %get3A_177 : vector<16xf32>
      %get3A_179 = arith.index_cast %add3A_160 : i32 to index
      %get3A_180 = arith.constant 64 : index
      %get3A_181 = tpu.vector_load %arg7[%get3A_179, %get3A_180] {strides = array<i32>} : memref<128x200xf32, #tpu.memory_space<vmem>>, vector<16xf32>,
      %add3A_182 = arith.addf %add3A_178, %get3A_181 : vector<16xf32>
      %get3A_183 = arith.index_cast %add3A_160 : i32 to index
      %get3A_184 = arith.constant 80 : index
      %get3A_185 = tpu.vector_load %arg7[%get3A_183, %get3A_184] {strides = array<i32>} : memref<128x200xf32, #tpu.memory_space<vmem>>, vector<16xf32>,
      %add3A_186 = arith.addf %add3A_182, %get3A_185 : vector<16xf32>
      %get3A_187 = arith.index_cast %add3A_160 : i32 to index
      %get3A_188 = arith.constant 96 : index
      %get3A_189 = tpu.vector_load %arg7[%get3A_187, %get3A_188] {strides = array<i32>} : memref<128x200xf32, #tpu.memory_space<vmem>>, vector<16xf32>,
      %add3A_190 = arith.addf %add3A_186, %get3A_189 : vector<16xf32>
      %get3A_191 = arith.index_cast %add3A_160 : i32 to index
      %get3A_192 = arith.constant 112 : index
      %get3A_193 = tpu.vector_load %arg7[%get3A_191, %get3A_192] {strides = array<i32>} : memref<128x200xf32, #tpu.memory_space<vmem>>, vector<16xf32>,
      %add3A_194 = arith.addf %add3A_190, %get3A_193 : vector<16xf32>
      %get3A_195 = arith.index_cast %add3A_160 : i32 to index
      %get3A_196 = arith.constant 128 : index
      %get3A_197 = tpu.vector_load %arg7[%get3A_195, %get3A_196] {strides = array<i32>} : memref<128x200xf32, #tpu.memory_space<vmem>>, vector<16xf32>,
      %add3A_198 = arith.addf %add3A_194, %get3A_197 : vector<16xf32>
      %get3A_199 = arith.index_cast %add3A_160 : i32 to index
      %get3A_200 = arith.constant 144 : index
      %get3A_201 = tpu.vector_load %arg7[%get3A_199, %get3A_200] {strides = array<i32>} : memref<128x200xf32, #tpu.memory_space<vmem>>, vector<16xf32>,
      %add3A_202 = arith.addf %add3A_198, %get3A_201 : vector<16xf32>
      %get3A_203 = arith.index_cast %add3A_160 : i32 to index
      %get3A_204 = arith.constant 160 : index
      %get3A_205 = tpu.vector_load %arg7[%get3A_203, %get3A_204] {strides = array<i32>} : memref<128x200xf32, #tpu.memory_space<vmem>>, vector<16xf32>,
      %add3A_206 = arith.addf %add3A_202, %get3A_205 : vector<16xf32>
      %get3A_207 = arith.index_cast %add3A_160 : i32 to index
      %get3A_208 = arith.constant 176 : index
      %get3A_209 = tpu.vector_load %arg7[%get3A_207, %get3A_208] {strides = array<i32>} : memref<128x200xf32, #tpu.memory_space<vmem>>, vector<16xf32>,
      %add3A_210 = arith.addf %add3A_206, %get3A_209 : vector<16xf32>
      %get3A_211 = arith.index_cast %add3A_160 : i32 to index
      %get3A_212 = arith.constant 184 : index
      %get3A_213 = tpu.vector_load %arg7[%get3A_211, %get3A_212] {strides = array<i32>} : memref<128x200xf32, #tpu.memory_space<vmem>>, vector<16xf32>,
      %jit3A_214 = arith.constant 0.000000e+00 : f32
      %broadcast_in_dim3A_215 = vector.broadcast %jit3A_214 : f32 to vector<16xf32>
      %select_n3A_216 = arith.select %ge3A_4, %get3A_213, %broadcast_in_dim3A_215 : vector<16xi1>, vector<16xf32>
      %add3A_217 = arith.addf %add3A_210, %select_n3A_216 : vector<16xf32>
      %reduce_sum3A_218 = arith.constant true
      %reduce_sum3A_219 = vector.broadcast %reduce_sum3A_218 : i1 to vector<16xi1>
      %reduce_sum3A_220 = tpu.scan <sum>, %add3A_217 masked %reduce_sum3A_219 : vector<16xf32>, vector<16xi1> -> vector<16xf32>
      %reduce_sum3A_221 = vector.extract %reduce_sum3A_220[15] : f32 from vector<16xf32>
      %broadcast_in_dim3A_222 = vector.broadcast %reduce_sum3A_221 : f32 to vector<16xf32>
      %add3A_223 = arith.constant 9.99999968E-21 : f32
      %add3A_224 = vector.broadcast %add3A_223 : f32 to vector<16xf32>
      %add3A_225 = arith.addf %broadcast_in_dim3A_222, %add3A_224 : vector<16xf32>
      %div3A_226 = arith.constant 1.000000e+00 : f32
      %div3A_227 = vector.broadcast %div3A_226 : f32 to vector<16xf32>
      %div3A_228 = arith.divf %div3A_227, %add3A_225 : vector<16xf32>
      %dma_wait3A_229 = arith.constant 0 : i32
      %dma_wait3A_230 = arith.constant 0 : i32
      %dma_wait3A_231 = tpu.memref_slice %arg4[%dma_wait3A_229, %dma_wait3A_230] : memref<1000000x64xf32, #tpu.memory_space<hbm>> -> memref<200x64xf32, #tpu.memory_space<hbm>>
      %dma_wait3A_232 = arith.constant 0 : i32
      %dma_wait3A_233 = arith.constant 0 : i32
      %dma_wait3A_234 = tpu.memref_slice %arg4[%dma_wait3A_232, %dma_wait3A_233] : memref<1000000x64xf32, #tpu.memory_space<hbm>> -> memref<200x64xf32, #tpu.memory_space<hbm>>
      tpu.wait_dma2 semaphore(%arg12 : memref<!tpu.dma_semaphore, #tpu.memory_space<semaphore_mem>>) src(%dma_wait3A_234 : memref<200x64xf32, #tpu.memory_space<hbm>>) dst(%arg9 : memref<200x64xf32, #tpu.memory_space<vmem>>)
      %add3A_235 = arith.constant 1 : i32
      %add3A_236 = arith.addi %mul3A_34, %add3A_235 : i32
      %broadcast_in_dim3A_237 = arith.constant 0.000000e+00 : f32
      %broadcast_in_dim3A_238 = vector.broadcast %broadcast_in_dim3A_237 : f32 to vector<16xf32>
      %broadcast_in_dim3A_239 = arith.constant 0.000000e+00 : f32
      %broadcast_in_dim3A_240 = vector.broadcast %broadcast_in_dim3A_239 : f32 to vector<16xf32>
      %broadcast_in_dim3A_241 = arith.constant 0.000000e+00 : f32
      %broadcast_in_dim3A_242 = vector.broadcast %broadcast_in_dim3A_241 : f32 to vector<16xf32>
      %broadcast_in_dim3A_243 = arith.constant 0.000000e+00 : f32
      %broadcast_in_dim3A_244 = vector.broadcast %broadcast_in_dim3A_243 : f32 to vector<16xf32>
      %scan3A_245 = arith.constant 0 : i32
      %scan3A_246 = arith.constant 50 : i32
      %scan3A_247 = arith.addi %scan3A_245, %scan3A_246 : i32
      %scan3A_248 = arith.constant 1 : i32
      %scan3A_249:8 = scf.for %scan3A_271 = %scan3A_245 to %scan3A_247 step %scan3A_248 iter_args(%scan3A_272 = %broadcast_in_dim3A_238, %scan3A_273 = %broadcast_in_dim3A_240, %scan3A_274 = %broadcast_in_dim3A_242, %scan3A_275 = %broadcast_in_dim3A_244, %scan3A_276 = %broadcast_in_dim3A_238, %scan3A_277 = %broadcast_in_dim3A_240, %scan3A_278 = %broadcast_in_dim3A_242, %scan3A_279 = %broadcast_in_dim3A_244) -> (vector<16xf32>, vector<16xf32>, vector<16xf32>, vector<16xf32>, vector<16xf32>, vector<16xf32>, vector<16xf32>, vector<16xf32>)  : i32 {
        %mul3A_280 = arith.constant 4 : i32
        %mul3A_281 = arith.muli %mul3A_280, %scan3A_271 : i32
        %get3A_282 = arith.index_cast %mul3A_281 : i32 to index
        %get3A_283 = arith.constant 0 : index
        %get3A_284 = tpu.vector_load %arg9[%get3A_282, %get3A_283] {strides = array<i32>} : memref<200x64xf32, #tpu.memory_space<vmem>>, vector<16xf32>,
        %mul3A_285 = arith.constant 4 : i32
        %mul3A_286 = arith.muli %mul3A_285, %scan3A_271 : i32
        %add3A_287 = arith.constant 1 : i32
        %add3A_288 = arith.addi %mul3A_286, %add3A_287 : i32
        %get3A_289 = arith.index_cast %add3A_288 : i32 to index
        %get3A_290 = arith.constant 0 : index
        %get3A_291 = tpu.vector_load %arg9[%get3A_289, %get3A_290] {strides = array<i32>} : memref<200x64xf32, #tpu.memory_space<vmem>>, vector<16xf32>,
        %add3A_292 = arith.addf %get3A_284, %get3A_291 : vector<16xf32>
        %add3A_293 = arith.addf %scan3A_272, %add3A_292 : vector<16xf32>
        %mul3A_294 = arith.constant 4 : i32
        %mul3A_295 = arith.muli %mul3A_294, %scan3A_271 : i32
        %get3A_296 = arith.index_cast %mul3A_295 : i32 to index
        %get3A_297 = arith.constant 16 : index
        %get3A_298 = tpu.vector_load %arg9[%get3A_296, %get3A_297] {strides = array<i32>} : memref<200x64xf32, #tpu.memory_space<vmem>>, vector<16xf32>,
        %mul3A_299 = arith.constant 4 : i32
        %mul3A_300 = arith.muli %mul3A_299, %scan3A_271 : i32
        %add3A_301 = arith.constant 1 : i32
        %add3A_302 = arith.addi %mul3A_300, %add3A_301 : i32
        %get3A_303 = arith.index_cast %add3A_302 : i32 to index
        %get3A_304 = arith.constant 16 : index
        %get3A_305 = tpu.vector_load %arg9[%get3A_303, %get3A_304] {strides = array<i32>} : memref<200x64xf32, #tpu.memory_space<vmem>>, vector<16xf32>,
        %add3A_306 = arith.addf %get3A_298, %get3A_305 : vector<16xf32>
        %add3A_307 = arith.addf %scan3A_273, %add3A_306 : vector<16xf32>
        %mul3A_308 = arith.constant 4 : i32
        %mul3A_309 = arith.muli %mul3A_308, %scan3A_271 : i32
        %get3A_310 = arith.index_cast %mul3A_309 : i32 to index
        %get3A_311 = arith.constant 32 : index
        %get3A_312 = tpu.vector_load %arg9[%get3A_310, %get3A_311] {strides = array<i32>} : memref<200x64xf32, #tpu.memory_space<vmem>>, vector<16xf32>,
        %mul3A_313 = arith.constant 4 : i32
        %mul3A_314 = arith.muli %mul3A_313, %scan3A_271 : i32
        %add3A_315 = arith.constant 1 : i32
        %add3A_316 = arith.addi %mul3A_314, %add3A_315 : i32
        %get3A_317 = arith.index_cast %add3A_316 : i32 to index
        %get3A_318 = arith.constant 32 : index
        %get3A_319 = tpu.vector_load %arg9[%get3A_317, %get3A_318] {strides = array<i32>} : memref<200x64xf32, #tpu.memory_space<vmem>>, vector<16xf32>,
        %add3A_320 = arith.addf %get3A_312, %get3A_319 : vector<16xf32>
        %add3A_321 = arith.addf %scan3A_274, %add3A_320 : vector<16xf32>
        %mul3A_322 = arith.constant 4 : i32
        %mul3A_323 = arith.muli %mul3A_322, %scan3A_271 : i32
        %get3A_324 = arith.index_cast %mul3A_323 : i32 to index
        %get3A_325 = arith.constant 48 : index
        %get3A_326 = tpu.vector_load %arg9[%get3A_324, %get3A_325] {strides = array<i32>} : memref<200x64xf32, #tpu.memory_space<vmem>>, vector<16xf32>,
        %mul3A_327 = arith.constant 4 : i32
        %mul3A_328 = arith.muli %mul3A_327, %scan3A_271 : i32
        %add3A_329 = arith.constant 1 : i32
        %add3A_330 = arith.addi %mul3A_328, %add3A_329 : i32
        %get3A_331 = arith.index_cast %add3A_330 : i32 to index
        %get3A_332 = arith.constant 48 : index
        %get3A_333 = tpu.vector_load %arg9[%get3A_331, %get3A_332] {strides = array<i32>} : memref<200x64xf32, #tpu.memory_space<vmem>>, vector<16xf32>,
        %add3A_334 = arith.addf %get3A_326, %get3A_333 : vector<16xf32>
        %add3A_335 = arith.addf %scan3A_275, %add3A_334 : vector<16xf32>
        %mul3A_336 = arith.constant 4 : i32
        %mul3A_337 = arith.muli %mul3A_336, %scan3A_271 : i32
        %add3A_338 = arith.constant 2 : i32
        %add3A_339 = arith.addi %mul3A_337, %add3A_338 : i32
        %get3A_340 = arith.index_cast %add3A_339 : i32 to index
        %get3A_341 = arith.constant 0 : index
        %get3A_342 = tpu.vector_load %arg9[%get3A_340, %get3A_341] {strides = array<i32>} : memref<200x64xf32, #tpu.memory_space<vmem>>, vector<16xf32>,
        %mul3A_343 = arith.constant 4 : i32
        %mul3A_344 = arith.muli %mul3A_343, %scan3A_271 : i32
        %add3A_345 = arith.constant 3 : i32
        %add3A_346 = arith.addi %mul3A_344, %add3A_345 : i32
        %get3A_347 = arith.index_cast %add3A_346 : i32 to index
        %get3A_348 = arith.constant 0 : index
        %get3A_349 = tpu.vector_load %arg9[%get3A_347, %get3A_348] {strides = array<i32>} : memref<200x64xf32, #tpu.memory_space<vmem>>, vector<16xf32>,
        %add3A_350 = arith.addf %get3A_342, %get3A_349 : vector<16xf32>
        %add3A_351 = arith.addf %scan3A_276, %add3A_350 : vector<16xf32>
        %mul3A_352 = arith.constant 4 : i32
        %mul3A_353 = arith.muli %mul3A_352, %scan3A_271 : i32
        %add3A_354 = arith.constant 2 : i32
        %add3A_355 = arith.addi %mul3A_353, %add3A_354 : i32
        %get3A_356 = arith.index_cast %add3A_355 : i32 to index
        %get3A_357 = arith.constant 16 : index
        %get3A_358 = tpu.vector_load %arg9[%get3A_356, %get3A_357] {strides = array<i32>} : memref<200x64xf32, #tpu.memory_space<vmem>>, vector<16xf32>,
        %mul3A_359 = arith.constant 4 : i32
        %mul3A_360 = arith.muli %mul3A_359, %scan3A_271 : i32
        %add3A_361 = arith.constant 3 : i32
        %add3A_362 = arith.addi %mul3A_360, %add3A_361 : i32
        %get3A_363 = arith.index_cast %add3A_362 : i32 to index
        %get3A_364 = arith.constant 16 : index
        %get3A_365 = tpu.vector_load %arg9[%get3A_363, %get3A_364] {strides = array<i32>} : memref<200x64xf32, #tpu.memory_space<vmem>>, vector<16xf32>,
        %add3A_366 = arith.addf %get3A_358, %get3A_365 : vector<16xf32>
        %add3A_367 = arith.addf %scan3A_277, %add3A_366 : vector<16xf32>
        %mul3A_368 = arith.constant 4 : i32
        %mul3A_369 = arith.muli %mul3A_368, %scan3A_271 : i32
        %add3A_370 = arith.constant 2 : i32
        %add3A_371 = arith.addi %mul3A_369, %add3A_370 : i32
        %get3A_372 = arith.index_cast %add3A_371 : i32 to index
        %get3A_373 = arith.constant 32 : index
        %get3A_374 = tpu.vector_load %arg9[%get3A_372, %get3A_373] {strides = array<i32>} : memref<200x64xf32, #tpu.memory_space<vmem>>, vector<16xf32>,
        %mul3A_375 = arith.constant 4 : i32
        %mul3A_376 = arith.muli %mul3A_375, %scan3A_271 : i32
        %add3A_377 = arith.constant 3 : i32
        %add3A_378 = arith.addi %mul3A_376, %add3A_377 : i32
        %get3A_379 = arith.index_cast %add3A_378 : i32 to index
        %get3A_380 = arith.constant 32 : index
        %get3A_381 = tpu.vector_load %arg9[%get3A_379, %get3A_380] {strides = array<i32>} : memref<200x64xf32, #tpu.memory_space<vmem>>, vector<16xf32>,
        %add3A_382 = arith.addf %get3A_374, %get3A_381 : vector<16xf32>
        %add3A_383 = arith.addf %scan3A_278, %add3A_382 : vector<16xf32>
        %mul3A_384 = arith.constant 4 : i32
        %mul3A_385 = arith.muli %mul3A_384, %scan3A_271 : i32
        %add3A_386 = arith.constant 2 : i32
        %add3A_387 = arith.addi %mul3A_385, %add3A_386 : i32
        %get3A_388 = arith.index_cast %add3A_387 : i32 to index
        %get3A_389 = arith.constant 48 : index
        %get3A_390 = tpu.vector_load %arg9[%get3A_388, %get3A_389] {strides = array<i32>} : memref<200x64xf32, #tpu.memory_space<vmem>>, vector<16xf32>,
        %mul3A_391 = arith.constant 4 : i32
        %mul3A_392 = arith.muli %mul3A_391, %scan3A_271 : i32
        %add3A_393 = arith.constant 3 : i32
        %add3A_394 = arith.addi %mul3A_392, %add3A_393 : i32
        %get3A_395 = arith.index_cast %add3A_394 : i32 to index
        %get3A_396 = arith.constant 48 : index
        %get3A_397 = tpu.vector_load %arg9[%get3A_395, %get3A_396] {strides = array<i32>} : memref<200x64xf32, #tpu.memory_space<vmem>>, vector<16xf32>,
        %add3A_398 = arith.addf %get3A_390, %get3A_397 : vector<16xf32>
        %add3A_399 = arith.addf %scan3A_279, %add3A_398 : vector<16xf32>
        scf.yield %add3A_293, %add3A_307, %add3A_321, %add3A_335, %add3A_351, %add3A_367, %add3A_383, %add3A_399 : vector<16xf32>, vector<16xf32>, vector<16xf32>, vector<16xf32>, vector<16xf32>, vector<16xf32>, vector<16xf32>, vector<16xf32>
      }
      %scan3A_250 = arith.constant 50 : i32
      %add3A_251 = arith.addf %scan3A_249#0, %scan3A_249#4 : vector<16xf32>
      %mul3A_252 = arith.mulf %add3A_251, %div3A_228 : vector<16xf32>
      %swap3A_253 = arith.index_cast %add3A_236 : i32 to index
      %swap3A_254 = arith.constant 0 : index
      %swap3A_255 = tpu.vector_load %arg10[%swap3A_253, %swap3A_254] {strides = array<i32>} : memref<128x64xf32, #tpu.memory_space<vmem>>, vector<16xf32>,
      tpu.vector_store %arg10[%swap3A_253, %swap3A_254], %mul3A_252 {strides = array<i32>} : memref<128x64xf32, #tpu.memory_space<vmem>>, vector<16xf32>,
      %add3A_256 = arith.addf %scan3A_249#1, %scan3A_249#5 : vector<16xf32>
      %mul3A_257 = arith.mulf %add3A_256, %div3A_228 : vector<16xf32>
      %swap3A_258 = arith.index_cast %add3A_236 : i32 to index
      %swap3A_259 = arith.constant 16 : index
      %swap3A_260 = tpu.vector_load %arg10[%swap3A_258, %swap3A_259] {strides = array<i32>} : memref<128x64xf32, #tpu.memory_space<vmem>>, vector<16xf32>,
      tpu.vector_store %arg10[%swap3A_258, %swap3A_259], %mul3A_257 {strides = array<i32>} : memref<128x64xf32, #tpu.memory_space<vmem>>, vector<16xf32>,
      %add3A_261 = arith.addf %scan3A_249#2, %scan3A_249#6 : vector<16xf32>
      %mul3A_262 = arith.mulf %add3A_261, %div3A_228 : vector<16xf32>
      %swap3A_263 = arith.index_cast %add3A_236 : i32 to index
      %swap3A_264 = arith.constant 32 : index
      %swap3A_265 = tpu.vector_load %arg10[%swap3A_263, %swap3A_264] {strides = array<i32>} : memref<128x64xf32, #tpu.memory_space<vmem>>, vector<16xf32>,
      tpu.vector_store %arg10[%swap3A_263, %swap3A_264], %mul3A_262 {strides = array<i32>} : memref<128x64xf32, #tpu.memory_space<vmem>>, vector<16xf32>,
      %add3A_266 = arith.addf %scan3A_249#3, %scan3A_249#7 : vector<16xf32>
      %mul3A_267 = arith.mulf %add3A_266, %div3A_228 : vector<16xf32>
      %swap3A_268 = arith.index_cast %add3A_236 : i32 to index
      %swap3A_269 = arith.constant 48 : index
      %swap3A_270 = tpu.vector_load %arg10[%swap3A_268, %swap3A_269] {strides = array<i32>} : memref<128x64xf32, #tpu.memory_space<vmem>>, vector<16xf32>,
      tpu.vector_store %arg10[%swap3A_268, %swap3A_269], %mul3A_267 {strides = array<i32>} : memref<128x64xf32, #tpu.memory_space<vmem>>, vector<16xf32>,
    }
    %scan3A_27 = arith.constant 64 : i32
    "tpu.region"() ({
      %run_scoped3A = tpu.sem_alloc : memref<!tpu.dma_semaphore, #tpu.memory_space<semaphore_mem>>
      %dma_start3A_28 = arith.constant 0 : i32
      %dma_start3A_29 = tpu.memref_slice %arg5[%mul3A_2, %dma_start3A_28] : memref<4096x64xf32, #tpu.memory_space<hbm>> -> memref<128x64xf32, #tpu.memory_space<hbm>>
      %dma_start3A_30 = arith.constant 0 : i32
      %dma_start3A_31 = tpu.memref_slice %arg5[%mul3A_2, %dma_start3A_30] : memref<4096x64xf32, #tpu.memory_space<hbm>> -> memref<128x64xf32, #tpu.memory_space<hbm>>
      tpu.enqueue_dma source(%arg10 : memref<128x64xf32, #tpu.memory_space<vmem>>) target(%dma_start3A_31 : memref<128x64xf32, #tpu.memory_space<hbm>>) target_semaphore(%run_scoped3A : memref<!tpu.dma_semaphore, #tpu.memory_space<semaphore_mem>>)
      %dma_wait3A = arith.constant 0 : i32
      %dma_wait3A_32 = tpu.memref_slice %arg5[%mul3A_2, %dma_wait3A] : memref<4096x64xf32, #tpu.memory_space<hbm>> -> memref<128x64xf32, #tpu.memory_space<hbm>>
      %dma_wait3A_33 = arith.constant 0 : i32
      %dma_wait3A_34 = tpu.memref_slice %arg5[%mul3A_2, %dma_wait3A_33] : memref<4096x64xf32, #tpu.memory_space<hbm>> -> memref<128x64xf32, #tpu.memory_space<hbm>>
      tpu.wait_dma2 semaphore(%run_scoped3A : memref<!tpu.dma_semaphore, #tpu.memory_space<semaphore_mem>>) src(%arg10 : memref<128x64xf32, #tpu.memory_space<vmem>>) dst(%dma_wait3A_34 : memref<128x64xf32, #tpu.memory_space<hbm>>)
      tpu.yield
    }) : () -> ()
    return
  }
}

</mosaic_0001>

<sc_bundles>
// kernel: kernel.3.cloned.1.call-start
scs
__scs_entry_jumppad:
0x0: {  	(pc) =	sbr.rel $0x88, $3  }
0x1: {  	(tag) =	ssettag $0x0;
	lr =	simm.s32 $0x1  }
0x2: {  	[smem:$0x3F9E] =	sst lr;
	_ =	strace $0xD0000000  }
0x3: {  	_ = 	snop  }
0x4: {  	_ = 	snop  }
0x5: {  	_ = 	snop  }
0x6: {  	_ = 	snop  }
0x7: {  	_ = 	snop  }
__scs_overlays_trampoline_lowered:
0x8: {  	[smem:$0x3FAD] =	sst s0  }
0x9: {  	[smem:$0x3FAE] =	sst s1  }
0xa: {  	[smem:$0x3FAF] =	sst s2  }
0xb: {  	[smem:$0x3FB0] =	sst s3  }
0xc: {  	[smem:$0x3FB1] =	sst s4  }
0xd: {  	[smem:$0x3FB2] =	sst s5  }
0xe: {  	[smem:$0x3FB3] =	sst s6  }
0xf: {  	[smem:$0x3FB4] =	sst s7  }
0x10: {  	[smem:$0x3FB5] =	sst s8  }
0x11: {  	[smem:$0x3FB6] =	sst s9;
	s0 =	simm.s32 @!p0 $0x0  }
0x12: {  	s1 =	sld [smem:$0x3F9C];
	s0 =	simm.s32 @p0 $0x1  }
0x13: {  	[smem:$0x3FB7] =	sst s0;
	s0 =	simm.s32 @!p1 $0x0  }
0x14: {  	s2 =	sld [smem:$0x3F9B];
	s0 =	simm.s32 @p1 $0x1  }
0x15: {  	[smem:$0x3FB8] =	sst s0;
	s0 =	simm.s32 @!p2 $0x0  }
0x16: {  	s3 =	sld [smem:$0x3FDB];
	s0 =	simm.s32 @p2 $0x1  }
0x17: {  	s4 =	simm.s32 $0x1BF5;
	[smem:$0x3FBA] =	sst s0  }
0x18: {  	s0 =	sld [smem:$0x3F9D];
	_ =	swait.ge [sflag:s4], $0x0  }
0x19: {  	s7 =	sld [smem:$0x3F9E]  }
0x1a: {  	s8 =	sadd.s32 $0xFFFFE003, lr  }
0x1b: {  	s9 =	sadd.s32 $0xFFFFFEF7, lr;
	s5 =	simm.s32 $0xFFFFFFFF;
	p2 =	slt.u32 s8, $0xFFFFF086  }
0x1c: {  	p1 =	slt.u32 s9, $0xF7A;
	s5 =	simm.s32 @!p2 $0x0  }
0x1d: {  	s5 =	simm.s32 @p1 $0x1;
	p0 =	seq.s32 s7, s2  }
0x1e: {  	s7 =	smul.u32 @!p0 $0xF7A, s2;
	p2 =	seq.s32 @!p0 s5, $0x0  }
0x1f: {  	s9 =	smul.u32 $0xF7A, s1;
	s8 =	simm.s32 @!p0 $0x1BF5;
	p2 =	por !p2, p0  }
0x20: {  	[sflag:s8] =	ssyncset.s32 @!p0 $0xFFFFF086;
	s6 =	sadd.s32 @!p0 s3, s7;
	s7 =	simm.s32 @!p0 $0x108  }
0x21: {  	s3 =	sadd.s32 s3, s9;
	s6 =	sadd.s32 @!p0 $0x88, s6;
	s7 =	simm.s32 @p2 $0x1082  }
0x22: {  	[simem:s7], [sflag:s8] =	dma.local @!p0 [hbm:s6], $0xF7A  }
0x23: {  	s9 =	sor.u32 $0xD0000000, s2;
	s6 =	simm.s32 $0x108;
	_ =	swait.ge @!p0 [sflag:s8], $0x0  }
0x24: {  	s3 =	sadd.s32 $0x88, s3;
	s6 =	simm.s32 @!p1 $0x1082;
	[sflag:s4] =	ssyncset.s32 $0xFFFFF086  }
0x25: {  	[simem:s6], [sflag:s4] =	dma.local [hbm:s3], $0xF7A  }
0x26: {  	[smem:$0x3F9E] =	sst s1;
	(tag) =	ssettag s2;
	_ =	strace s9  }
0x27: {  	s1 =	sld [smem:$0x3FAE]  }
0x28: {  	s2 =	sld [smem:$0x3FAF]  }
0x29: {  	s4 =	sld [smem:$0x3FB1]  }
0x2a: {  	p0 =	seq.s32 s5, $0x0;
	s5 =	sld [smem:$0x3FB2]  }
0x2b: {  	s6 =	sld [smem:$0x3FB3]  }
0x2c: {  	s7 =	sld [smem:$0x3FB4]  }
0x2d: {  	s3 =	simm.s32 $0x108;
	s8 =	sld [smem:$0x3FB5]  }
0x2e: {  	s3 =	simm.s32 @!p0 $0x1082;
	s9 =	sld [smem:$0x3FB6]  }
0x2f: {  	lr =	sadd.s32 s0, s3;
	s0 =	sld [smem:$0x3FAD]  }
0x30: {  	s3 =	sld [smem:$0x3FB0]  }
0x31: {  	[smem:$0x3FB9] =	sst s10  }
0x32: {  	s10 =	sld [smem:$0x3FB7];
	_ =	sdelay $0x3  }
0x33: {  	p0 =	seq.s32 s10, $0x1;
	s10 =	sld [smem:$0x3FB9];
	_ =	sdelay $0x3  }
0x34: {  	[smem:$0x3FB9] =	sst s10  }
0x35: {  	s10 =	sld [smem:$0x3FB8];
	_ =	sdelay $0x3  }
0x36: {  	p1 =	seq.s32 s10, $0x1;
	s10 =	sld [smem:$0x3FB9];
	_ =	sdelay $0x3  }
0x37: {  	[smem:$0x3FB9] =	sst s10  }
0x38: {  	s10 =	sld [smem:$0x3FBA]  }
0x39: {  	_ = 	snop;
	(pc) =	sbr.ind lr, $3  }
0x3a: {  	_ = 	snop  }
0x3b: {  	_ = 	snop  }
0x3c: {  	p2 =	seq.s32 s10, $0x1;
	s10 =	sld [smem:$0x3FB9]  }
0x3d: {  	_ =	shalt  }
0x3e: {  	_ =	shalt  }
0x3f: {  	_ =	shalt  }
0x40: {  	_ =	shalt  }
0x41: {  	_ =	shalt  }
0x42: {  	_ =	shalt  }
0x43: {  	_ =	shalt  }
0x44: {  	_ =	shalt  }
0x45: {  	_ =	shalt  }
0x46: {  	_ =	shalt  }
0x47: {  	_ =	shalt  }
0x48: {  	_ =	shalt  }
0x49: {  	_ =	shalt  }
0x4a: {  	_ =	shalt  }
0x4b: {  	_ =	shalt  }
0x4c: {  	_ =	shalt  }
0x4d: {  	_ =	shalt  }
0x4e: {  	_ =	shalt  }
0x4f: {  	_ =	shalt  }
0x50: {  	_ =	shalt  }
0x51: {  	_ =	shalt  }
0x52: {  	_ =	shalt  }
0x53: {  	_ =	shalt  }
0x54: {  	_ =	shalt  }
0x55: {  	_ =	shalt  }
0x56: {  	_ =	shalt  }
0x57: {  	_ =	shalt  }
0x58: {  	_ =	shalt  }
0x59: {  	_ =	shalt  }
0x5a: {  	_ =	shalt  }
0x5b: {  	_ =	shalt  }
0x5c: {  	_ =	shalt  }
0x5d: {  	_ =	shalt  }
0x5e: {  	_ =	shalt  }
0x5f: {  	_ =	shalt  }
0x60: {  	_ =	shalt  }
0x61: {  	_ =	shalt  }
0x62: {  	_ =	shalt  }
0x63: {  	_ =	shalt  }
0x64: {  	_ =	shalt  }
0x65: {  	_ =	shalt  }
0x66: {  	_ =	shalt  }
0x67: {  	_ =	shalt  }
0x68: {  	_ =	shalt  }
0x69: {  	_ =	shalt  }
0x6a: {  	_ =	shalt  }
0x6b: {  	_ =	shalt  }
0x6c: {  	_ =	shalt  }
0x6d: {  	_ =	shalt  }
0x6e: {  	_ =	shalt  }
0x6f: {  	_ =	shalt  }
0x70: {  	_ =	shalt  }
0x71: {  	_ =	shalt  }
0x72: {  	_ =	shalt  }
0x73: {  	_ =	shalt  }
0x74: {  	_ =	shalt  }
0x75: {  	_ =	shalt  }
0x76: {  	_ =	shalt  }
0x77: {  	_ =	shalt  }
0x78: {  	_ =	shalt  }
0x79: {  	_ =	shalt  }
0x7a: {  	_ =	shalt  }
0x7b: {  	_ =	shalt  }
0x7c: {  	_ =	shalt  }
0x7d: {  	_ =	shalt  }
0x7e: {  	_ =	shalt  }
0x7f: {  	_ =	shalt  }
0x80: {  	_ =	shalt  }
0x81: {  	_ =	shalt  }
0x82: {  	_ =	shalt  }
0x83: {  	_ =	shalt  }
0x84: {  	_ =	shalt  }
0x85: {  	_ =	shalt  }
0x86: {  	_ =	shalt  }
0x87: {  	_ =	shalt  }
.Lfunc_end0:
.L_simem_size_0:
called_computation_lowered:
.L_overlay_start_0:
0x88: {  	s2 =	sld [smem:$0x3FD9]  }
0x89: {  	s3 =	sld [smem:$0x3FFE];
	_ =	sdelay $0x1  }
0x8a: {  	s1 =	srdreg.scid  }
0x8b: {  	s0 =	sand.u32 $0x1, s1  }
0x8c: {  	s17 =	sshll.u32 s0, $0xA;
	s2 =	sadd.s32 s3, s2  }
0x8d: {  	s2 =	sadd.s32 s2, s17  }
0x8e: {  	[smem:$0x3FC5] =	sst s2  }
0x8f: {  	_ = 	snop  }
0x90: {  	s2 =	sld [smem:$0x3FD0];
	(tm) =	ssettm $0x1  }
0x91: {  	s18 =	sld [smem:$0x3FFB];
	_ =	sdelay $0x3  }
0x92: {  	_ =	strace s18  }
0x93: {  	s3 =	sld [smem:$0x3FFC];
	_ =	sdelay $0x3  }
0x94: {  	_ =	strace s3  }
0x95: {  	s3 =	sld [smem:$0x3FFD];
	_ =	sdelay $0x3  }
0x96: {  	_ =	strace s3  }
0x97: {  	_ =	strace $0x8FFFFFFF  }
0x98: {  	s19 =	sld [smem:$0x3FDB];
	_ =	sdelay $0x1  }
0x99: {  	s4 =	simm.s32 $_scs_section_size  }
0x9a: {  	s5 =	simm.s32 $_size__tile_overlayer_lowered;
	s6 =	simm.s32 $_tile_overlayer_lowered  }
0x9b: {  	s22 =	simm.s32 $0x1BFF;
	s21 =	sshll.u32 s6, $0x1;
	s3 =	sadd.s32 s4, s19  }
0x9c: {  	s7 =	simm.s32 $0x0;
	s20 =	sshll.u32 s5, $0x1;
	s5 =	sadd.s32 s21, s3  }
0x9d: {  	[timem:s7], [sflag:s22] =	dma.local [hbm:s5], s20  }
0x9e: {  	_ =	swait.ge [sflag:s22], s20  }
0x9f: {  	s4 =	ssub.s32 $0x0, s20;
	[sflag:s22] =	ssyncset.done $0x0  }
0xa0: {  	[sflag:s22] =	ssyncadd.s32 s4;
	_ =	sdelay $0x1  }
0xa1: {  	s23 =	simm.s32 $0x1B8B  }
0xa2: {  	_ =	swait.ge [sflag:s23], $0x1  }
0xa3: {  	[sflag:s23] =	ssyncset.done $0x0  }
0xa4: {  	s25 =	simm.s32 $0x1B8E;
	s24 =	sld [smem:$0x3FFE];
	[sflag:s23] =	ssyncadd.s32 $0xFFFFFFFF  }
0xa5: {  	s26 =	simm.s32 $execute0_lowered;
	[smem:$0x3FD2] =	sst s25  }
0xa6: {  	s5 =	sshll.u32 s26, $0x1;
	_ =	strace $0x80000046;
	[dreg:$0x1] =	wrdreg $0xFFFFFFFF  }
0xa7: {  	s28 =	simm.s32 $_size_execute0_lowered;
	s3 =	sadd.s32 s3, s5;
	[dreg:$0x0] =	wrdreg $0x0  }
0xa8: {  	s5 =	sshll.u32 s28, $0x1;
	[dreg:$0x2] =	wrdreg s3  }
0xa9: {  	[dreg:$0x3] =	wrdreg s5  }
0xaa: {  	[dreg:$0x4] =	wrdreg $0xC0  }
0xab: {  	_ =	task [dreg:s7], $0x5FFFF  }
0xac: {  	[dreg:$0x1] =	wrdreg $0xFFFFFFFF  }
0xad: {  	[dreg:$0x0] =	wrdreg $0x60  }
0xae: {  	[dreg:$0x2] =	wrdreg s24  }
0xaf: {  	[dreg:$0x3] =	wrdreg s2  }
0xb0: {  	[dreg:$0x4] =	wrdreg $0x9  }
0xb1: {  	_ =	task.clear_ibuf [dreg:s7], $0x5FFFF;
	_ =	strace $0x90000046  }
0xb2: {  	s29 =	simm.s32 $0x9;
	_ =	strace $0x80000048  }
0xb3: {  	_ =	swait.ge [sflag:s29], $0x1  }
0xb4: {  	[sflag:s29] =	ssyncadd.s32 $0xFFFFFFFF  }
0xb5: {  	_ =	strace $0x90000048  }
0xb6: {  	_ =	sfence  }
0xb7: {  	s30 =	sld [smem:$0x0];
	_ =	sdelay $0x2  }
0xb8: {  	s31 =	sshll.u32 s1, $0xD;
	s1 =	sshrl.u32 s1, $0x2  }
0xb9: {  	s3 =	sand.u32 $0x4000, s31;
	s1 =	sadd.s32 s1, s30  }
0xba: {  	s0 =	sor.u32 s3, s0;
	s1 =	sshll.u32 s1, $0x11  }
0xbb: {  	s0 =	sor.u32 s1, s0  }
0xbc: {  	s0 =	sadd.s32 $0x8F2B, s0  }
0xbd: {  	[sflag:s0] =	ssyncadd.remote.s32 $0x1  }
0xbe: {  	_ =	sfence.sel $0xFFFF  }
0xbf: {  	[dreg:$0x0] =	wrdreg $0xFFFFFFFF;
	(pc) =	sbr.abs _section_cstart, $3  }
0xc0: {  	[dreg:$0x1] =	wrdreg $0xFFFFFFFF  }
0xc1: {  	_ =	task.clear_ibuf [dreg:s7], $0x2FFFF;
	_ =	strace $0x9FFFFFFF  }
0xc2: {  	(tm) =	ssettm $0x7FFFFFFF  }
0xc3: {  	_ =	shalt  }
tec
execute0_lowered:
.L_overlay_start_1:
0x0: {  	(tag) =	ssettag $0x1  }
0x1: {  	s1 =	srdreg.scid;
	s3 =	rddreg [dreg:$0x0]  }
0x2: {  	s0 =	stileid.u32;
	s6 =	rddreg [dreg:$0x1];
	s2 =	simm.s32 $0x0  }
0x3: {  	s10 =	simm.s32 $0x68;
	s11 =	simm.s32 $0xC800;
	s12 =	simm.s32 $0x60  }
0x4: {  	s13 =	simm.s32 $0xE200;
	s14 =	simm.s32 $0xFA00;
	s15 =	simm.s32 $0x11400  }
0x5: {  	s16 =	simm.s32 $0x1;
	s17 =	simm.s32 $0x2;
	s4 =	sand.u32 $0x1, s1  }
0x6: {  	s18 =	simm.s32 $0x12C00;
	s5 =	sshll.u32 s0, $0x8;
	s7 =	sshll.u32 s4, $0x7  }
0x7: {  	s19 =	simm.s32 $0x0;
	s1 =	rddreg [dreg:$0x2];
	s5 =	sor.u32 s7, s5  }
0x8: {  	[smem:$0x7FF] =	sst s2;
	s4 =	ssub.s32 $0x2, s4;
	s7 =	smul.u32 $0x19, s5  }
0x9: {  	_ =	strace $0x80000047;
	s8 =	sshrl.u32 s4, $0x1;
	s9 =	sshll.u32 s5, $0x3  }
0xa: {  	s8 =	ssub.s32 s4, s8;
	s6 =	sadd.s32 s6, s9;
	s7 =	sadd.s32 s7, s3  }
0xb: {  	s9 =	simm.s32 $0x6400;
	s3 =	sadd.s32 $0xF42C00, s3;
	s4 =	sadd.s32 $0x19800, s7  }
0xc: {  	vm0 =	vmmov $0xff;
	s5 =	sadd.s32 $0x800, s7;
	s7 =	smax.u32 s8, $0x1;
	s8 =	simm.s32 $0x3  }
.LBB2_1:
0xd: {  	[tilespmem:s2], [sflag:$0x3] =	stream.linear.gather [hbm4b:s4+s2], $0x6400, $0x38;
	[tilespmem:$0x14C00] =	vst v63  }
0xe: {  	_ =	swait.ge [sflag:s8], $0x6400  }
0xf: {  	[sflag:s8] =	ssyncset.done $0x0  }
0x10: {  	[sflag:s8] =	ssyncadd.s32 $0xFFFF9C00  }
0x11: {  	[tilespmem:s9], [sflag:$0x3] =	stream.linear.gather [hbm4b:s5+s2], $0x6400, $0x38;
	[tilespmem:$0x14C00] =	vst v63  }
0x12: {  	_ =	swait.ge [sflag:s8], $0x6400  }
0x13: {  	[sflag:s8] =	ssyncset.done $0x0  }
0x14: {  	[sflag:s8] =	ssyncadd.s32 $0xFFFF9C00  }
0x15: {  	[tilespmem:s11], [sflag:$0x1] =	stream.indirect.gather [hbm4b:s3+s10], $0x40, s2, s10, $0xb8;
	[tilespmem:$0x14C00] =	vst v63  }
0x16: {  	s20 =	simm.s32 $0x0  }
0x17: {  	[tilespmem:s13], [sflag:$0x1] =	stream.indirect.gather [hbm4b:s3+s12], $0x40, s10, s12, $0xb8;
	[tilespmem:$0x14C00] =	vst v63  }
.LBB2_2:
0x18: {  	s21 =	sshllo.u32 s20, $0x1  }
0x19: {  	s22 =	smul.u32 $0xC8, s21;
	_ =	sdelay $0x1  }
0x1a: {  	[tilespmem:s14], [sflag:$0x2] =	stream.indirect.gather [hbm4b:s3+s10], $0x40, s22, s10, $0xb8;
	[tilespmem:$0x14C00] =	vst v63  }
0x1b: {  	s23 =	smul.u32 $0x190, s20;
	s24 =	sadd.s32 $0x68, s22  }
0x1c: {  	[tilespmem:s15], [sflag:$0x2] =	stream.indirect.gather [hbm4b:s3+s12], $0x40, s24, s12, $0xb8;
	[tilespmem:$0x14C00] =	vst v63  }
0x1d: {  	v6 =	vld [tilespmem:s23+$0x6400]  }
0x1e: {  	v7 =	vld [tilespmem:s23+$0x6410]  }
0x1f: {  	v8 =	vld [tilespmem:s23+$0x6420]  }
0x20: {  	v9 =	vld [tilespmem:s23+$0x6430]  }
0x21: {  	v10 =	vld [tilespmem:s23+$0x6440]  }
0x22: {  	v11 =	vld [tilespmem:s23+$0x6450]  }
0x23: {  	v12 =	vld [tilespmem:s23+$0x6460]  }
0x24: {  	v13 =	vld [tilespmem:s23+$0x6470]  }
0x25: {  	v14 =	vld [tilespmem:s23+$0x6480]  }
0x26: {  	v15 =	vld [tilespmem:s23+$0x6490]  }
0x27: {  	v16 =	vld [tilespmem:s23+$0x64A0]  }
0x28: {  	v17 =	vld [tilespmem:s23+$0x64B0]  }
0x29: {  	v18 =	vld [tilespmem:s23+$0x64B8];
	_ =	swait.ge [sflag:s16], $0x3200  }
0x2a: {  	[sflag:s16] =	ssyncset.done $0x0  }
0x2b: {  	s25 =	simm.s32 $0x0;
	[sflag:s16] =	ssyncadd.s32 $0xFFFFCE00  }
0x2c: {  	v0 =	vld [tilespmem:s25+$0xC8B0]  }
0x2d: {  	v1 =	vld [tilespmem:s25+$0xC8F0]  }
0x2e: {  	v2 =	vld [tilespmem:s25+$0xC800]  }
0x2f: {  	v3 =	vld [tilespmem:s25+$0xC840]  }
0x30: {  	v4 =	vld [tilespmem:s25+$0xC810]  }
0x31: {  	v19 =	vld [tilespmem:s25+$0xC850]  }
0x32: {  	v20 =	vld [tilespmem:s25+$0xC820]  }
0x33: {  	v22 =	vld [tilespmem:s25+$0xC860]  }
0x34: {  	v24 =	vld [tilespmem:s25+$0xC830]  }
0x35: {  	v26 =	vld [tilespmem:s25+$0xC880]  }
0x36: {  	v27 =	vld [tilespmem:s25+$0xC8C0]  }
0x37: {  	v25 =	vld [tilespmem:s25+$0xC870];
	_ =	sdelay $0x1  }
0x38: {  	v0 =	vadd.f32 v1, v0  }
0x39: {  	v5 =	vimm.f32 $0.0e+00;
	v21 =	vld [tilespmem:s25+$0xC890];
	v2 =	vadd.f32 v3, v2;
	v3 =	vadd.f32 v22, v20  }
0x3a: {  	v23 =	vld [tilespmem:s25+$0xC8D0];
	v26 =	vadd.f32 v27, v26;
	v1 =	vadd.f32 v0, v5  }
0x3b: {  	v22 =	vld [tilespmem:s25+$0xC8A0];
	v0 =	vadd.f32 v19, v4;
	v19 =	vadd.f32 v25, v24  }
0x3c: {  	s24 =	simm.s32 $0x100;
	v20 =	vimm.f32 $0.0e+00;
	v4 =	vadd.f32 v2, v5;
	v3 =	vadd.f32 v3, v5;
	v25 =	vld [tilespmem:s25+$0xC8E0]  }
0x3d: {  	v24 =	vld [tilespmem:s24+$0xC8B0];
	s25 =	simm.s32 $0x800;
	v2 =	vadd.f32 v0, v5;
	v0 =	vadd.f32 v19, v5;
	v19 =	vimm.f32 $0.0e+00  }
.LBB2_3:
0x3e: {  	p0 =	sne.s32 s25, $0xC400;
	v27 =	vld [tilespmem:s24+$0xC8F0]  }
0x3f: {  	v28 =	vld [tilespmem:s24+$0xC800];
	v5 =	vadd.f32 v26, v5;
	v21 =	vadd.f32 v23, v21  }
0x40: {  	v23 =	vld [tilespmem:s24+$0xC840]  }
0x41: {  	v26 =	vld [tilespmem:s24+$0xC810];
	v20 =	vadd.f32 v21, v20;
	v21 =	vadd.f32 v25, v22  }
0x42: {  	v22 =	vld [tilespmem:s24+$0xC850]  }
0x43: {  	v25 =	vld [tilespmem:s24+$0xC820];
	v24 =	vadd.f32 v27, v24;
	v19 =	vadd.f32 v21, v19  }
0x44: {  	v21 =	vld [tilespmem:s24+$0xC860]  }
0x45: {  	v23 =	vadd.f32 v23, v28;
	v27 =	vld [tilespmem:s24+$0xC830];
	v1 =	vadd.f32 v24, v1  }
0x46: {  	v24 =	vld [tilespmem:s24+$0xC870]  }
0x47: {  	v4 =	vadd.f32 v23, v4;
	v22 =	vadd.f32 v22, v26;
	v26 =	vld [tilespmem:s24+$0xC880]  }
0x48: {  	v28 =	vld [tilespmem:s24+$0xC8C0]  }
.Ltmp0:
0x49: {  	v2 =	vadd.f32 v22, v2;
	v22 =	vadd.f32 v21, v25;
	v21 =	vld [tilespmem:s24+$0xC890];
	(pc) =	sbr.rel @p0 .LBB2_3-.Ltmp0, $4  }
0x4a: {  	v23 =	vld [tilespmem:s24+$0xC8D0]  }
0x4b: {  	v3 =	vadd.f32 v22, v3;
	v27 =	vadd.f32 v24, v27;
	v22 =	vld [tilespmem:s24+$0xC8A0]  }
0x4c: {  	v25 =	vld [tilespmem:s24+$0xC8E0];
	s24 =	sshra.s32 s25, $0x2  }
0x4d: {  	s25 =	sadd.s32 $0x400, s25;
	v24 =	vld [tilespmem:s24+$0xC8B0];
	v0 =	vadd.f32 v27, v0;
	v26 =	vadd.f32 v28, v26  }
0x4e: {  	v6 =	vadd.f32 $0.0e+00, v6;
	_ =	sdelay $0x1  }
0x4f: {  	v6 =	vadd.f32 v7, v6;
	_ =	sdelay $0x1  }
0x50: {  	v6 =	vadd.f32 v8, v6;
	_ =	sdelay $0x1  }
0x51: {  	v6 =	vadd.f32 v9, v6;
	_ =	sdelay $0x1  }
0x52: {  	v6 =	vadd.f32 v10, v6;
	_ =	sdelay $0x1  }
0x53: {  	v6 =	vadd.f32 v11, v6;
	_ =	sdelay $0x1  }
0x54: {  	v6 =	vadd.f32 v12, v6;
	_ =	sdelay $0x1  }
0x55: {  	v6 =	vadd.f32 v13, v6;
	_ =	sdelay $0x1  }
0x56: {  	v6 =	vadd.f32 v14, v6;
	_ =	sdelay $0x1  }
0x57: {  	v6 =	vadd.f32 v15, v6;
	_ =	sdelay $0x1  }
0x58: {  	v6 =	vadd.f32 v16, v6;
	_ =	sdelay $0x1  }
0x59: {  	v6 =	vadd.f32 v17, v6  }
0x5a: {  	v7 =	vsel vm0, $0x0, v18  }
0x5b: {  	v6 =	vadd.f32 v7, v6;
	_ =	sdelay $0x1  }
0x5c: {  	(xrf2) =	vadd.scan.msk.f32 $0xffff, v6;
	_ =	sdelay $0x2  }
0x5d: {  	v18 =	vld [tilespmem:s24+$0xC890]  }
0x5e: {  	v8 =	vld [tilespmem:s24+$0xC840]  }
0x5f: {  	v9 =	vld [tilespmem:s24+$0xC810]  }
0x60: {  	v10 =	vld [tilespmem:s24+$0xC850]  }
0x61: {  	v11 =	vld [tilespmem:s24+$0xC820]  }
0x62: {  	v12 =	vld [tilespmem:s24+$0xC860]  }
0x63: {  	v15 =	vld [tilespmem:s24+$0xC880]  }
0x64: {  	v6 =	vld [tilespmem:s24+$0xC8F0];
	v14, _, _ =	vpop (xrf2)  }
0x65: {  	v7 =	vld [tilespmem:s24+$0xC800];
	v14 =	vadd.f32 $9.999999680e-21, v14  }
0x66: {  	v16 =	vld [tilespmem:s24+$0xC8C0]  }
0x67: {  	v5 =	vadd.f32 v26, v5;
	v13 =	vld [tilespmem:s24+$0xC830];
	v17 =	vadd.f32 v23, v21;
	v14 =	vbroadcast v14, $0xF  }
0x68: {  	v9 =	vadd.f32 v10, v9;
	v21 =	vadd.f32 v25, v22;
	v22 =	vld [tilespmem:s24+$0xC8D0]  }
0x69: {  	v17 =	vadd.f32 v17, v20;
	v20 =	vld [tilespmem:s24+$0xC8A0];
	v6 =	vadd.f32 v6, v24;
	(erf) = vrcp.f32 v14  }
0x6a: {  	v2 =	vadd.f32 v9, v2;
	v7 =	vadd.f32 v8, v7;
	v8 =	vld [tilespmem:s24+$0xC8E0]  }
0x6b: {  	v9 =	vadd.f32 v16, v15;
	v1 =	vadd.f32 v6, v1;
	v6 =	vld [tilespmem:s24+$0xC870]  }
0x6c: {  	v4 =	vadd.f32 v7, v4;
	v7 =	vadd.f32 v12, v11  }
0x6d: {  	v5 =	vadd.f32 v9, v5  }
0x6e: {  	v3 =	vadd.f32 v7, v3;
	v7 =	vadd.f32 v22, v18  }
0x6f: {  	v8 =	vadd.f32 v8, v20;
	v14 =	vadd.f32 v21, v19  }
0x70: {  	v7 =	vadd.f32 v7, v17;
	v6 =	vadd.f32 v6, v13  }
0x71: {  	v4 =	vadd.f32 v5, v4;
	v8 =	vadd.f32 v8, v14  }
0x72: {  	v2 =	vadd.f32 v7, v2;
	v0 =	vadd.f32 v6, v0;
	v5 =	vpop (erf)  }
0x73: {  	s30 =	sshll.u32 s20, $0x7;
	v3 =	vadd.f32 v8, v3;
	v4 =	vmul.f32 v4, v5  }
0x74: {  	s24 =	sand.u32 $0x3FFFFF80, s30;
	v0 =	vadd.f32 v1, v0;
	v2 =	vmul.f32 v2, v5  }
0x75: {  	v1 =	vmul.f32 v3, v5;
	[tilespmem:s24+$0x12C00] =	vst v4  }
0x76: {  	v0 =	vmul.f32 v0, v5;
	[tilespmem:s24+$0x12C10] =	vst v2  }
0x77: {  	p0 =	seq.s32 s20, $0x3F;
	[tilespmem:s24+$0x12C20] =	vst v1  }
0x78: {  	s25 =	simm.s32 @!p0 $0x68;
	s26 =	simm.s32 @!p0 $0xC800;
	[tilespmem:s24+$0x12C30] =	vst v0;
	s24 =	sadd.s32 @!p0 $0x190, s23  }
0x79: {  	[tilespmem:s26], [sflag:$0x1] =	stream.indirect.gather @!p0 [hbm4b:s3+s25], $0x40, s24, s25, $0xb8;
	[tilespmem:$0x14C00] =	vst v63  }
0x7a: {  	s23 =	sadd.s32 @!p0 $0x1F8, s23;
	s24 =	simm.s32 @!p0 $0x60;
	s25 =	simm.s32 @!p0 $0xE200  }
0x7b: {  	[tilespmem:s25], [sflag:$0x1] =	stream.indirect.gather @!p0 [hbm4b:s3+s24], $0x40, s23, s24, $0xb8;
	[tilespmem:$0x14C00] =	vst v63  }
0x7c: {  	v6 =	vld [tilespmem:s22+$0x6400]  }
0x7d: {  	v7 =	vld [tilespmem:s22+$0x6410]  }
0x7e: {  	v8 =	vld [tilespmem:s22+$0x6420]  }
0x7f: {  	v9 =	vld [tilespmem:s22+$0x6430]  }
0x80: {  	v10 =	vld [tilespmem:s22+$0x6440]  }
0x81: {  	v11 =	vld [tilespmem:s22+$0x6450]  }
0x82: {  	v12 =	vld [tilespmem:s22+$0x6460]  }
0x83: {  	v13 =	vld [tilespmem:s22+$0x6470]  }
0x84: {  	v14 =	vld [tilespmem:s22+$0x6480]  }
0x85: {  	v15 =	vld [tilespmem:s22+$0x6490]  }
0x86: {  	v16 =	vld [tilespmem:s22+$0x64A0]  }
0x87: {  	v17 =	vld [tilespmem:s22+$0x64B0]  }
0x88: {  	v18 =	vld [tilespmem:s22+$0x64B8];
	_ =	swait.ge [sflag:s17], $0x3200  }
0x89: {  	[sflag:s17] =	ssyncset.done $0x0  }
0x8a: {  	s31 =	simm.s32 $0x0;
	[sflag:s17] =	ssyncadd.s32 $0xFFFFCE00  }
0x8b: {  	v0 =	vld [tilespmem:s31+$0xFAB0]  }
0x8c: {  	v1 =	vld [tilespmem:s31+$0xFAF0]  }
0x8d: {  	v2 =	vld [tilespmem:s31+$0xFA00]  }
0x8e: {  	v3 =	vld [tilespmem:s31+$0xFA40]  }
0x8f: {  	v4 =	vld [tilespmem:s31+$0xFA10]  }
0x90: {  	v19 =	vld [tilespmem:s31+$0xFA50]  }
0x91: {  	v20 =	vld [tilespmem:s31+$0xFA20]  }
0x92: {  	v22 =	vld [tilespmem:s31+$0xFA60]  }
0x93: {  	v24 =	vld [tilespmem:s31+$0xFA30]  }
0x94: {  	v26 =	vld [tilespmem:s31+$0xFA80]  }
0x95: {  	v27 =	vld [tilespmem:s31+$0xFAC0]  }
0x96: {  	v25 =	vld [tilespmem:s31+$0xFA70];
	_ =	sdelay $0x1  }
0x97: {  	v0 =	vadd.f32 v1, v0  }
0x98: {  	v5 =	vimm.f32 $0.0e+00;
	v21 =	vld [tilespmem:s31+$0xFA90];
	v2 =	vadd.f32 v3, v2;
	v3 =	vadd.f32 v22, v20  }
0x99: {  	v23 =	vld [tilespmem:s31+$0xFAD0];
	v26 =	vadd.f32 v27, v26;
	v1 =	vadd.f32 v0, v5  }
0x9a: {  	v22 =	vld [tilespmem:s31+$0xFAA0];
	v0 =	vadd.f32 v19, v4;
	v19 =	vadd.f32 v25, v24  }
0x9b: {  	s22 =	simm.s32 $0x100;
	v20 =	vimm.f32 $0.0e+00;
	v4 =	vadd.f32 v2, v5;
	v3 =	vadd.f32 v3, v5;
	v25 =	vld [tilespmem:s31+$0xFAE0]  }
0x9c: {  	s23 =	simm.s32 $0x800;
	v24 =	vld [tilespmem:s22+$0xFAB0];
	v2 =	vadd.f32 v0, v5;
	v0 =	vadd.f32 v19, v5;
	v19 =	vimm.f32 $0.0e+00  }
.LBB2_5:
0x9d: {  	p0 =	sne.s32 s23, $0xC400;
	v27 =	vld [tilespmem:s22+$0xFAF0]  }
0x9e: {  	v28 =	vld [tilespmem:s22+$0xFA00];
	v5 =	vadd.f32 v26, v5;
	v21 =	vadd.f32 v23, v21  }
0x9f: {  	v23 =	vld [tilespmem:s22+$0xFA40]  }
0xa0: {  	v26 =	vld [tilespmem:s22+$0xFA10];
	v20 =	vadd.f32 v21, v20;
	v21 =	vadd.f32 v25, v22  }
0xa1: {  	v22 =	vld [tilespmem:s22+$0xFA50]  }
0xa2: {  	v25 =	vld [tilespmem:s22+$0xFA20];
	v24 =	vadd.f32 v27, v24;
	v19 =	vadd.f32 v21, v19  }
0xa3: {  	v21 =	vld [tilespmem:s22+$0xFA60]  }
0xa4: {  	v23 =	vadd.f32 v23, v28;
	v27 =	vld [tilespmem:s22+$0xFA30];
	v1 =	vadd.f32 v24, v1  }
0xa5: {  	v24 =	vld [tilespmem:s22+$0xFA70]  }
0xa6: {  	v4 =	vadd.f32 v23, v4;
	v22 =	vadd.f32 v22, v26;
	v26 =	vld [tilespmem:s22+$0xFA80]  }
0xa7: {  	v28 =	vld [tilespmem:s22+$0xFAC0]  }
.Ltmp1:
0xa8: {  	v2 =	vadd.f32 v22, v2;
	v22 =	vadd.f32 v21, v25;
	v21 =	vld [tilespmem:s22+$0xFA90];
	(pc) =	sbr.rel @p0 .LBB2_5-.Ltmp1, $4  }
0xa9: {  	v23 =	vld [tilespmem:s22+$0xFAD0]  }
0xaa: {  	v3 =	vadd.f32 v22, v3;
	v27 =	vadd.f32 v24, v27;
	v22 =	vld [tilespmem:s22+$0xFAA0]  }
0xab: {  	v25 =	vld [tilespmem:s22+$0xFAE0];
	s22 =	sshra.s32 s23, $0x2  }
0xac: {  	s23 =	sadd.s32 $0x400, s23;
	v24 =	vld [tilespmem:s22+$0xFAB0];
	v0 =	vadd.f32 v27, v0;
	v26 =	vadd.f32 v28, v26  }
0xad: {  	v6 =	vadd.f32 $0.0e+00, v6;
	_ =	sdelay $0x1  }
0xae: {  	v6 =	vadd.f32 v7, v6;
	_ =	sdelay $0x1  }
0xaf: {  	v6 =	vadd.f32 v8, v6;
	_ =	sdelay $0x1  }
0xb0: {  	v6 =	vadd.f32 v9, v6;
	_ =	sdelay $0x1  }
0xb1: {  	v6 =	vadd.f32 v10, v6;
	_ =	sdelay $0x1  }
0xb2: {  	v6 =	vadd.f32 v11, v6;
	_ =	sdelay $0x1  }
0xb3: {  	v6 =	vadd.f32 v12, v6;
	_ =	sdelay $0x1  }
0xb4: {  	v6 =	vadd.f32 v13, v6;
	_ =	sdelay $0x1  }
0xb5: {  	v6 =	vadd.f32 v14, v6;
	_ =	sdelay $0x1  }
0xb6: {  	v6 =	vadd.f32 v15, v6;
	_ =	sdelay $0x1  }
0xb7: {  	v6 =	vadd.f32 v16, v6;
	_ =	sdelay $0x1  }
0xb8: {  	v6 =	vadd.f32 v17, v6  }
0xb9: {  	v39 =	vsel vm0, $0x0, v18  }
0xba: {  	v6 =	vadd.f32 v39, v6;
	_ =	sdelay $0x1  }
0xbb: {  	(xrf2) =	vadd.scan.msk.f32 $0xffff, v6;
	_ =	sdelay $0x1  }
0xbc: {  	v41 =	vld [tilespmem:s22+$0xFA00]  }
0xbd: {  	v42 =	vld [tilespmem:s22+$0xFA40]  }
0xbe: {  	v43 =	vld [tilespmem:s22+$0xFA10]  }
0xbf: {  	v45 =	vld [tilespmem:s22+$0xFA20]  }
0xc0: {  	v46 =	vld [tilespmem:s22+$0xFA60]  }
0xc1: {  	v49 =	vld [tilespmem:s22+$0xFA80]  }
0xc2: {  	v50 =	vld [tilespmem:s22+$0xFAC0]  }
0xc3: {  	v52 =	vld [tilespmem:s22+$0xFA90]  }
0xc4: {  	v54 =	vld [tilespmem:s22+$0xFAD0];
	v48, _, _ =	vpop (xrf2)  }
0xc5: {  	v55 =	vld [tilespmem:s22+$0xFAA0];
	v14 =	vadd.f32 $9.999999680e-21, v48  }
0xc6: {  	v57 =	vld [tilespmem:s22+$0xFAE0]  }
0xc7: {  	v44 =	vld [tilespmem:s22+$0xFA50];
	v53 =	vadd.f32 v25, v22;
	v14 =	vbroadcast v14, $0xF  }
0xc8: {  	v51 =	vadd.f32 v23, v21;
	v5 =	vadd.f32 v26, v5  }
0xc9: {  	v40 =	vld [tilespmem:s22+$0xFAF0];
	v56 =	vadd.f32 v53, v19;
	v7 =	vadd.f32 v42, v41;
	(erf) = vrcp.f32 v14  }
0xca: {  	v47 =	vld [tilespmem:s22+$0xFA30];
	v59 =	vadd.f32 v46, v45;
	v60 =	vadd.f32 v50, v49  }
0xcb: {  	v58 =	vld [tilespmem:s22+$0xFA70];
	v61 =	vadd.f32 v54, v52;
	v8 =	vadd.f32 v57, v55  }
0xcc: {  	v9 =	vadd.f32 v44, v43;
	v4 =	vadd.f32 v7, v4  }
0xcd: {  	v3 =	vadd.f32 v59, v3;
	v17 =	vadd.f32 v51, v20  }
0xce: {  	v5 =	vadd.f32 v60, v5;
	v6 =	vadd.f32 v40, v24  }
0xcf: {  	v2 =	vadd.f32 v9, v2;
	v7 =	vadd.f32 v61, v17  }
0xd0: {  	v1 =	vadd.f32 v6, v1;
	v6 =	vadd.f32 v58, v47  }
0xd1: {  	v8 =	vadd.f32 v8, v56;
	v4 =	vadd.f32 v5, v4  }
0xd2: {  	s20 =	sadd.s32 $0x1, s20;
	v2 =	vadd.f32 v7, v2;
	v0 =	vadd.f32 v6, v0;
	v62 =	vpop (erf)  }
0xd3: {  	s21 =	sshll.u32 s21, $0x6;
	p0 =	sne.s32 s20, $0x40;
	v3 =	vadd.f32 v8, v3;
	v4 =	vmul.f32 v4, v62  }
.Ltmp2:
0xd4: {  	s21 =	sand.u32 $0x3FFFFFC0, s21;
	v0 =	vadd.f32 v1, v0;
	v2 =	vmul.f32 v2, v62;
	(pc) =	sbr.rel @p0 .LBB2_2-.Ltmp2, $4  }
0xd5: {  	v63 =	vmul.f32 v3, v62;
	[tilespmem:s21+$0x12C00] =	vst v4  }
0xd6: {  	v0 =	vmul.f32 v0, v62;
	[tilespmem:s21+$0x12C10] =	vst v2  }
0xd7: {  	[tilespmem:s21+$0x12C20] =	vst v63  }
0xd8: {  	[tilespmem:s21+$0x12C30] =	vst v0  }
0xd9: {  	s19 =	sadd.s32 $0x1, s19  }
0xda: {  	p0 =	sne.s32 s19, s7  }
.Ltmp3:
0xdb: {  	_ = 	snop;
	(pc) =	sbr.rel @p0 .LBB2_1-.Ltmp3, $4  }
0xdc: {  	[hbm4b:s6+s2] =	stream.linear.scatter [tilespmem:s18], [sflag:$0x3], $0x2000, $0x38;
	[tilespmem:$0x14C00] =	vst v63  }
0xdd: {  	_ =	swait.ge [sflag:s8], $0x2000  }
0xde: {  	[sflag:s8] =	ssyncset.done $0x0  }
0xdf: {  	[sflag:s8] =	ssyncadd.s32 $0xFFFFE000  }
0xe0: {  	_ =	sfence.sel $0x180000  }
0xe1: {  	[bflag:$0x0] =	sbarrier.arrive $0xFFFF  }
0xe2: {  	p0 =	sne.s32 s0, $0x0;
	_ =	strace $0x90000047  }
0xe3: {  	s0 =	sadd.s32 @!p0 $0x100000, s1;
	[bflag:$0x2] =	sbarrier.arrive $0xFFFF  }
0xe4: {  	[sflag:s0] =	ssyncadd.tile.s32 @!p0 $0x1;
	_ =	shalt  }
.Lfunc_end2:
_tile_overlayer_lowered:
.L_overlay_start_2:
0xe5: {  	(tag) =	ssettag $0x2  }
0xe6: {  	s0 =	rddreg [dreg:$0x0];
	s2 =	stileid.u32  }
0xe7: {  	s1 =	rddreg [dreg:$0x1];
	p0 =	sne.s32 s2, $0x0  }
0xe8: {  	s3 =	rddreg [dreg:$0x2];
	[bflag:$0x3] =	sbarrier.arrive $0xFFFF;
	s2 =	simm.s32 @!p0 $0x1C03  }
0xe9: {  	[timem:s3], [sflag:s2] =	dma.local @!p0 [hbm:s0], s1  }
0xea: {  	s0 =	simm.s32 @!p0 $0x3  }
0xeb: {  	_ =	swait.ge @!p0 [sflag:s0], s1  }
0xec: {  	s1 =	ssub.s32 @!p0 $0x0, s1;
	[sflag:s0] =	ssyncset.done @!p0 $0x0  }
0xed: {  	[sflag:s0] =	ssyncadd.s32 @!p0 s1  }
0xee: {  	[bflag:$0x3] =	sbarrier.arrive $0xFFFF  }
0xef: {  	_ =	shalt  }

</sc_bundles>
